<compile_context>
chip_gen: v7x
topology: tpu7x:2x2x1
jax: 0.10.2.dev20260603
libtpu: 0.0.44.dev20260713+nightly
codegen_flags: <defaults>
</compile_context>

<pallas_src>
import functools

import jax
import jax.numpy as jnp
from jax import lax
from jax.experimental import pallas as pl
from jax.experimental.pallas import tpu as pltpu
from jax.experimental.pallas import tpu_sc as plsc

_EMBED = 256
_IMG = 224
_NC = 2
_NS = 16
_NW = _NC * _NS
_L = 16
_CHUNK = 64
_NBUF = 3


def _sc_body(n_tok, fx_hbm, fy_hbm, desc_hbm, pos_hbm, out_hbm,
             fx_v, fy_v, idx_v, rows_v, desc_v, sem_g, sem_d, sem_o):
  b_per_w = n_tok // _NW
  n_chunks = b_per_w // _CHUNK
  wid = lax.axis_index("s") * _NC + lax.axis_index("c")
  w_base = wid * b_per_w

  pltpu.sync_copy(fx_hbm.at[pl.ds(w_base, b_per_w)], fx_v)
  pltpu.sync_copy(fy_hbm.at[pl.ds(w_base, b_per_w)], fy_v)

  def compute_idx(i, carry):
    sl = pl.ds(i * _L, _L)
    xi = jnp.clip((fx_v[sl] * _IMG).astype(jnp.int32), 0, _IMG - 1)
    yi = jnp.clip((fy_v[sl] * _IMG).astype(jnp.int32), 0, _IMG - 1)
    idx_v[sl] = yi * _IMG + xi
    return carry

  lax.fori_loop(0, b_per_w // _L, compute_idx, 0)

  def start_in(c, b):
    pltpu.async_copy(pos_hbm.at[idx_v.at[pl.ds(c * _CHUNK, _CHUNK)]],
                     rows_v.at[b], sem_g.at[b])
    pltpu.async_copy(desc_hbm.at[pl.ds(w_base + c * _CHUNK, _CHUNK)],
                     desc_v.at[b], sem_d.at[b])

  def wait_in(b):
    pltpu.make_async_copy(desc_hbm.at[pl.ds(0, _CHUNK)],
                          rows_v.at[b], sem_g.at[b]).wait()
    pltpu.make_async_copy(desc_hbm.at[pl.ds(0, _CHUNK)],
                          desc_v.at[b], sem_d.at[b]).wait()

  def start_s(c, b):
    pltpu.async_copy(desc_v.at[b],
                     out_hbm.at[pl.ds(w_base + c * _CHUNK, _CHUNK)],
                     sem_o.at[b])

  def wait_s(b):
    pltpu.make_async_copy(desc_v.at[b],
                          out_hbm.at[pl.ds(0, _CHUNK)], sem_o.at[b]).wait()

  start_in(0, 0)
  start_in(1, 1)

  def chunk_step(c, carry):
    b = lax.rem(c, _NBUF)
    bn = lax.rem(c + 2, _NBUF)

    @pl.when(c + 2 < n_chunks)
    def _():
      @pl.when(c + 2 >= _NBUF)
      def _():
        wait_s(bn)
      start_in(c + 2, bn)

    wait_in(b)

    def add_row(r2, carry2):
      for u in range(2):
        r = r2 * 2 + u
        for k in range(_EMBED // _L):
          sl = pl.ds(k * _L, _L)
          plsc.addupdate(desc_v.at[b, r, sl], rows_v[b, r, sl])
      return carry2

    lax.fori_loop(0, _CHUNK // 2, add_row, 0)
    start_s(c, b)
    return carry

  lax.fori_loop(0, n_chunks, chunk_step, 0)

  for b in range(_NBUF):
    wait_s(b)


@jax.jit
def kernel(discriptors, flows_in, pos_2d):
  shape = discriptors.shape
  n_tok = shape[0] * shape[1]
  d = discriptors.reshape(n_tok, _EMBED)
  fx = flows_in[..., 0].reshape(n_tok)
  fy = flows_in[..., 1].reshape(n_tok)
  p = pos_2d.reshape(_IMG * _IMG, _EMBED)

  b_per_w = n_tok // _NW
  mesh = plsc.VectorSubcoreMesh(core_axis_name="c", subcore_axis_name="s")
  out = pl.kernel(
      functools.partial(_sc_body, n_tok),
      out_type=jax.ShapeDtypeStruct((n_tok, _EMBED), jnp.float32),
      mesh=mesh,
      scratch_types=[
          pltpu.VMEM((b_per_w,), jnp.float32),
          pltpu.VMEM((b_per_w,), jnp.float32),
          pltpu.VMEM((b_per_w,), jnp.int32),
          pltpu.VMEM((_NBUF, _CHUNK, _EMBED), jnp.float32),
          pltpu.VMEM((_NBUF, _CHUNK, _EMBED), jnp.float32),
          pltpu.SemaphoreType.DMA((_NBUF,)),
          pltpu.SemaphoreType.DMA((_NBUF,)),
          pltpu.SemaphoreType.DMA((_NBUF,)),
      ],
  )(fx, fy, d, p)
  return out.reshape(shape)

# --- scband reference (transcript-rebuilt; emitter-appended) ---
"""Pipeline reference for scband-flow-pos2d-13494787244717 (READ-ONLY COPY).

The authoritative reference and input builder live on the scoring server;
editing this copy changes nothing except your own understanding.
"""

import jax, jax.numpy as jnp
import numpy as np

EMBED_DIM = 256
IMG = 224

def posemb_sincos_2d(h, w, dim, temperature=10000):
    y, x = jnp.meshgrid(jnp.arange(h, dtype=jnp.float32), jnp.arange(w, dtype=jnp.float32), indexing='ij')
    omega = jnp.arange(dim // 4, dtype=jnp.float32) / (dim // 4 - 1)
    omega = 1.0 / (temperature ** omega)
    yv = y.reshape(-1)[:, None] * omega[None, :]
    xv = x.reshape(-1)[:, None] * omega[None, :]
    pe = jnp.concatenate([jnp.sin(xv), jnp.cos(xv), jnp.sin(yv), jnp.cos(yv)], axis=1)
    return pe.astype(jnp.float32)

def setup_inputs(seed: int = 0):
    key = jax.random.key(seed)
    k1, k2 = jax.random.split(key)
    discriptors = jax.random.normal(k1, (32, 8192, EMBED_DIM), dtype=jnp.float32)
    flows_in = jax.random.uniform(k2, (32, 8192, 3), dtype=jnp.float32)
    pos_2d = posemb_sincos_2d(IMG, IMG, EMBED_DIM).reshape(IMG, IMG, EMBED_DIM)
    return {"discriptors": discriptors, "flows_in": flows_in, "pos_2d": pos_2d}

def reference(discriptors, flows_in, pos_2d):
    shape = discriptors.shape
    d = discriptors.reshape(-1, EMBED_DIM)
    f = flows_in.reshape(-1, 3)
    xy = f[:, :2] * IMG
    # torch .long() truncates toward zero; inputs are non-negative so astype(int32) matches
    idx = jnp.clip(xy.astype(jnp.int32), 0, IMG - 1)
    gathered = pos_2d[idx[:, 1], idx[:, 0]]
    d = d + gathered
    return d.reshape(shape)

if __name__ == "__main__":
    import jax
    _d = setup_inputs()
    print(jax.jit(kernel)(*tuple(_d.values())))

</pallas_src>

<mosaic_0001>
#map = affine_map<(d0, d1) -> (0)>
#map1 = affine_map<(d0, d1) -> (0, 0)>
module attributes {stable_mosaic.version = 14 : i64} {
  func.func @_sc_body(%arg0: i32, %arg1: i32, %arg2: memref<262144xf32, #tpu.memory_space<hbm>>, %arg3: memref<262144xf32, #tpu.memory_space<hbm>>, %arg4: memref<262144x256xf32, #tpu.memory_space<hbm>>, %arg5: memref<50176x256xf32, #tpu.memory_space<hbm>>, %arg6: memref<262144x256xf32, #tpu.memory_space<hbm>>, %arg7: memref<8192xf32, #tpu.memory_space<vmem>>, %arg8: memref<8192xf32, #tpu.memory_space<vmem>>, %arg9: memref<8192xi32, #tpu.memory_space<vmem>>, %arg10: memref<3x64x256xf32, #tpu.memory_space<vmem>>, %arg11: memref<3x64x256xf32, #tpu.memory_space<vmem>>, %arg12: memref<3x!tpu.dma_semaphore, #tpu.memory_space<semaphore_mem>>, %arg13: memref<3x!tpu.dma_semaphore, #tpu.memory_space<semaphore_mem>>, %arg14: memref<3x!tpu.dma_semaphore, #tpu.memory_space<semaphore_mem>>) attributes {dimension_semantics = [#tpu.dimension_semantics<core_parallel>, #tpu.dimension_semantics<subcore_parallel>], iteration_bounds = array<i64: 2, 16>, scalar_prefetch = 0 : i64, scratch_operands = 8 : i64, tpu.core_type = #tpu.core_type<sc_vector_subcore>, window_params = [{transform_indices = #map}, {transform_indices = #map}, {transform_indices = #map1}, {transform_indices = #map1}, {transform_indices = #map1}]} {
    %mul3A = arith.constant 2 : i32
    %mul3A_0 = arith.muli %arg1, %mul3A : i32
    %add3A = arith.addi %mul3A_0, %arg0 : i32
    %mul3A_1 = arith.constant 8192 : i32
    %mul3A_2 = arith.muli %add3A, %mul3A_1 : i32
    "tpu.region"() ({
      %run_scoped3A = tpu.sem_alloc : memref<!tpu.dma_semaphore, #tpu.memory_space<semaphore_mem>>
      %dma_start3A_128 = tpu.memref_slice %arg2[%mul3A_2] : memref<262144xf32, #tpu.memory_space<hbm>> -> memref<8192xf32, #tpu.memory_space<hbm>>
      %dma_start3A_129 = tpu.memref_slice %arg2[%mul3A_2] : memref<262144xf32, #tpu.memory_space<hbm>> -> memref<8192xf32, #tpu.memory_space<hbm>>
      tpu.enqueue_dma source(%dma_start3A_129 : memref<8192xf32, #tpu.memory_space<hbm>>) target(%arg7 : memref<8192xf32, #tpu.memory_space<vmem>>) target_semaphore(%run_scoped3A : memref<!tpu.dma_semaphore, #tpu.memory_space<semaphore_mem>>)
      %dma_wait3A_130 = tpu.memref_slice %arg2[%mul3A_2] : memref<262144xf32, #tpu.memory_space<hbm>> -> memref<8192xf32, #tpu.memory_space<hbm>>
      %dma_wait3A_131 = tpu.memref_slice %arg2[%mul3A_2] : memref<262144xf32, #tpu.memory_space<hbm>> -> memref<8192xf32, #tpu.memory_space<hbm>>
      tpu.wait_dma2 semaphore(%run_scoped3A : memref<!tpu.dma_semaphore, #tpu.memory_space<semaphore_mem>>) src(%dma_wait3A_131 : memref<8192xf32, #tpu.memory_space<hbm>>) dst(%arg7 : memref<8192xf32, #tpu.memory_space<vmem>>)
      tpu.yield
    }) : () -> ()
    "tpu.region"() ({
      %run_scoped3A = tpu.sem_alloc : memref<!tpu.dma_semaphore, #tpu.memory_space<semaphore_mem>>
      %dma_start3A_128 = tpu.memref_slice %arg3[%mul3A_2] : memref<262144xf32, #tpu.memory_space<hbm>> -> memref<8192xf32, #tpu.memory_space<hbm>>
      %dma_start3A_129 = tpu.memref_slice %arg3[%mul3A_2] : memref<262144xf32, #tpu.memory_space<hbm>> -> memref<8192xf32, #tpu.memory_space<hbm>>
      tpu.enqueue_dma source(%dma_start3A_129 : memref<8192xf32, #tpu.memory_space<hbm>>) target(%arg8 : memref<8192xf32, #tpu.memory_space<vmem>>) target_semaphore(%run_scoped3A : memref<!tpu.dma_semaphore, #tpu.memory_space<semaphore_mem>>)
      %dma_wait3A_130 = tpu.memref_slice %arg3[%mul3A_2] : memref<262144xf32, #tpu.memory_space<hbm>> -> memref<8192xf32, #tpu.memory_space<hbm>>
      %dma_wait3A_131 = tpu.memref_slice %arg3[%mul3A_2] : memref<262144xf32, #tpu.memory_space<hbm>> -> memref<8192xf32, #tpu.memory_space<hbm>>
      tpu.wait_dma2 semaphore(%run_scoped3A : memref<!tpu.dma_semaphore, #tpu.memory_space<semaphore_mem>>) src(%dma_wait3A_131 : memref<8192xf32, #tpu.memory_space<hbm>>) dst(%arg8 : memref<8192xf32, #tpu.memory_space<vmem>>)
      tpu.yield
    }) : () -> ()
    %scan3A = arith.constant 0 : i32
    %scan3A_3 = arith.constant 0 : i32
    %scan3A_4 = arith.constant 512 : i32
    %scan3A_5 = arith.addi %scan3A_3, %scan3A_4 : i32
    %scan3A_6 = arith.constant 1 : i32
    scf.for %scan3A_128 = %scan3A_3 to %scan3A_5 step %scan3A_6  : i32 {
      %mul3A_129 = arith.constant 16 : i32
      %mul3A_130 = arith.muli %scan3A_128, %mul3A_129 : i32
      %get3A = arith.index_cast %mul3A_130 : i32 to index
      %get3A_131 = tpu.vector_load %arg7[%get3A] {strides = array<i32>} : memref<8192xf32, #tpu.memory_space<vmem>>, vector<16xf32>,
      %get3A_132 = vector.shape_cast %get3A_131 : vector<16xf32> to vector<16xf32>
      %mul3A_133 = arith.constant 2.240000e+02 : f32
      %mul3A_134 = vector.broadcast %mul3A_133 : f32 to vector<16xf32>
      %mul3A_135 = arith.mulf %get3A_132, %mul3A_134 : vector<16xf32>
      %convert_element_type3A = arith.fptosi %mul3A_135 : vector<16xf32> to vector<16xi32>
      %jit3A = arith.constant 0 : i32
      %jit3A_136 = arith.constant 223 : i32
      %max3A = vector.broadcast %jit3A : i32 to vector<16xi32>
      %max3A_137 = arith.maxsi %max3A, %convert_element_type3A : vector<16xi32>
      %min3A = vector.broadcast %jit3A_136 : i32 to vector<16xi32>
      %min3A_138 = arith.minsi %min3A, %max3A_137 : vector<16xi32>
      %get3A_139 = arith.index_cast %mul3A_130 : i32 to index
      %get3A_140 = tpu.vector_load %arg8[%get3A_139] {strides = array<i32>} : memref<8192xf32, #tpu.memory_space<vmem>>, vector<16xf32>,
      %get3A_141 = vector.shape_cast %get3A_140 : vector<16xf32> to vector<16xf32>
      %mul3A_142 = arith.constant 2.240000e+02 : f32
      %mul3A_143 = vector.broadcast %mul3A_142 : f32 to vector<16xf32>
      %mul3A_144 = arith.mulf %get3A_141, %mul3A_143 : vector<16xf32>
      %convert_element_type3A_145 = arith.fptosi %mul3A_144 : vector<16xf32> to vector<16xi32>
      %jit3A_146 = arith.constant 0 : i32
      %jit3A_147 = arith.constant 223 : i32
      %max3A_148 = vector.broadcast %jit3A_146 : i32 to vector<16xi32>
      %max3A_149 = arith.maxsi %max3A_148, %convert_element_type3A_145 : vector<16xi32>
      %min3A_150 = vector.broadcast %jit3A_147 : i32 to vector<16xi32>
      %min3A_151 = arith.minsi %min3A_150, %max3A_149 : vector<16xi32>
      %mul3A_152 = arith.constant 224 : i32
      %mul3A_153 = vector.broadcast %mul3A_152 : i32 to vector<16xi32>
      %mul3A_154 = arith.muli %min3A_151, %mul3A_153 : vector<16xi32>
      %add3A_155 = arith.addi %mul3A_154, %min3A_138 : vector<16xi32>
      %swap3A = arith.index_cast %mul3A_130 : i32 to index
      %swap3A_156 = tpu.vector_load %arg9[%swap3A] {strides = array<i32>} : memref<8192xi32, #tpu.memory_space<vmem>>, vector<16xi32>,
      %swap3A_157 = vector.shape_cast %swap3A_156 : vector<16xi32> to vector<16xi32>
      %swap3A_158 = vector.shape_cast %add3A_155 : vector<16xi32> to vector<16xi32>
      tpu.vector_store %arg9[%swap3A], %swap3A_158 {strides = array<i32>} : memref<8192xi32, #tpu.memory_space<vmem>>, vector<16xi32>,
    }
    %scan3A_7 = arith.constant 512 : i32
    %dma_start3A = arith.constant 0 : i32
    %dma_start3A_8 = arith.constant 0 : i32
    %dma_start3A_9 = arith.constant 0 : i32
    %dma_start3A_10 = arith.constant 0 : i32
    %dma_start3A_11 = tpu.memref_slice %arg10[%dma_start3A, %dma_start3A_9, %dma_start3A_10] : memref<3x64x256xf32, #tpu.memory_space<vmem>> -> memref<1x64x256xf32, #tpu.memory_space<vmem>>
    %dma_start3A_12 = tpu.memref_squeeze %dma_start3A_11 : memref<1x64x256xf32, #tpu.memory_space<vmem>> -> memref<64x256xf32, #tpu.memory_space<vmem>>
    %dma_start3A_13 = arith.constant 0 : i32
    %dma_start3A_14 = tpu.memref_slice %arg9[%dma_start3A_13] : memref<8192xi32, #tpu.memory_space<vmem>> -> memref<64xi32, #tpu.memory_space<vmem>>
    %dma_start3A_15 = arith.constant 0 : i32
    %dma_start3A_16 = arith.constant 0 : i32
    %dma_start3A_17 = tpu.memref_slice %arg5[%dma_start3A_15, %dma_start3A_16] : memref<50176x256xf32, #tpu.memory_space<hbm>> -> memref<50176x256xf32, #tpu.memory_space<hbm>>
    %dma_start3A_18 = tpu.memref_slice %arg12[%dma_start3A_8] : memref<3x!tpu.dma_semaphore, #tpu.memory_space<semaphore_mem>> -> memref<1x!tpu.dma_semaphore, #tpu.memory_space<semaphore_mem>>
    %dma_start3A_19 = tpu.memref_squeeze %dma_start3A_18 : memref<1x!tpu.dma_semaphore, #tpu.memory_space<semaphore_mem>> -> memref<!tpu.dma_semaphore, #tpu.memory_space<semaphore_mem>>
    tpu.enqueue_indirect_dma source(%dma_start3A_17 : memref<50176x256xf32, #tpu.memory_space<hbm>>) target(%dma_start3A_12 : memref<64x256xf32, #tpu.memory_space<vmem>>) offsets(%dma_start3A_14 : memref<64xi32, #tpu.memory_space<vmem>>) semaphore(%dma_start3A_19 : memref<!tpu.dma_semaphore, #tpu.memory_space<semaphore_mem>>)
    %add3A_20 = arith.constant 0 : i32
    %add3A_21 = arith.addi %mul3A_2, %add3A_20 : i32
    %dma_start3A_22 = arith.constant 0 : i32
    %dma_start3A_23 = arith.constant 0 : i32
    %dma_start3A_24 = arith.constant 0 : i32
    %dma_start3A_25 = arith.constant 0 : i32
    %dma_start3A_26 = tpu.memref_slice %arg11[%dma_start3A_22, %dma_start3A_24, %dma_start3A_25] : memref<3x64x256xf32, #tpu.memory_space<vmem>> -> memref<1x64x256xf32, #tpu.memory_space<vmem>>
    %dma_start3A_27 = tpu.memref_squeeze %dma_start3A_26 : memref<1x64x256xf32, #tpu.memory_space<vmem>> -> memref<64x256xf32, #tpu.memory_space<vmem>>
    %dma_start3A_28 = arith.constant 0 : i32
    %dma_start3A_29 = tpu.memref_slice %arg4[%add3A_21, %dma_start3A_28] : memref<262144x256xf32, #tpu.memory_space<hbm>> -> memref<64x256xf32, #tpu.memory_space<hbm>>
    %dma_start3A_30 = tpu.memref_slice %arg13[%dma_start3A_23] : memref<3x!tpu.dma_semaphore, #tpu.memory_space<semaphore_mem>> -> memref<1x!tpu.dma_semaphore, #tpu.memory_space<semaphore_mem>>
    %dma_start3A_31 = tpu.memref_squeeze %dma_start3A_30 : memref<1x!tpu.dma_semaphore, #tpu.memory_space<semaphore_mem>> -> memref<!tpu.dma_semaphore, #tpu.memory_space<semaphore_mem>>
    %dma_start3A_32 = arith.constant 0 : i32
    %dma_start3A_33 = arith.constant 0 : i32
    %dma_start3A_34 = tpu.memref_slice %arg11[%dma_start3A_22, %dma_start3A_32, %dma_start3A_33] : memref<3x64x256xf32, #tpu.memory_space<vmem>> -> memref<1x64x256xf32, #tpu.memory_space<vmem>>
    %dma_start3A_35 = tpu.memref_squeeze %dma_start3A_34 : memref<1x64x256xf32, #tpu.memory_space<vmem>> -> memref<64x256xf32, #tpu.memory_space<vmem>>
    %dma_start3A_36 = arith.constant 0 : i32
    %dma_start3A_37 = tpu.memref_slice %arg4[%add3A_21, %dma_start3A_36] : memref<262144x256xf32, #tpu.memory_space<hbm>> -> memref<64x256xf32, #tpu.memory_space<hbm>>
    tpu.enqueue_dma source(%dma_start3A_37 : memref<64x256xf32, #tpu.memory_space<hbm>>) target(%dma_start3A_35 : memref<64x256xf32, #tpu.memory_space<vmem>>) target_semaphore(%dma_start3A_31 : memref<!tpu.dma_semaphore, #tpu.memory_space<semaphore_mem>>)
    %dma_start3A_38 = arith.constant 1 : i32
    %dma_start3A_39 = arith.constant 1 : i32
    %dma_start3A_40 = arith.constant 0 : i32
    %dma_start3A_41 = arith.constant 0 : i32
    %dma_start3A_42 = tpu.memref_slice %arg10[%dma_start3A_38, %dma_start3A_40, %dma_start3A_41] : memref<3x64x256xf32, #tpu.memory_space<vmem>> -> memref<1x64x256xf32, #tpu.memory_space<vmem>>
    %dma_start3A_43 = tpu.memref_squeeze %dma_start3A_42 : memref<1x64x256xf32, #tpu.memory_space<vmem>> -> memref<64x256xf32, #tpu.memory_space<vmem>>
    %dma_start3A_44 = arith.constant 64 : i32
    %dma_start3A_45 = tpu.memref_slice %arg9[%dma_start3A_44] : memref<8192xi32, #tpu.memory_space<vmem>> -> memref<64xi32, #tpu.memory_space<vmem>>
    %dma_start3A_46 = arith.constant 0 : i32
    %dma_start3A_47 = arith.constant 0 : i32
    %dma_start3A_48 = tpu.memref_slice %arg5[%dma_start3A_46, %dma_start3A_47] : memref<50176x256xf32, #tpu.memory_space<hbm>> -> memref<50176x256xf32, #tpu.memory_space<hbm>>
    %dma_start3A_49 = tpu.memref_slice %arg12[%dma_start3A_39] : memref<3x!tpu.dma_semaphore, #tpu.memory_space<semaphore_mem>> -> memref<1x!tpu.dma_semaphore, #tpu.memory_space<semaphore_mem>>
    %dma_start3A_50 = tpu.memref_squeeze %dma_start3A_49 : memref<1x!tpu.dma_semaphore, #tpu.memory_space<semaphore_mem>> -> memref<!tpu.dma_semaphore, #tpu.memory_space<semaphore_mem>>
    tpu.enqueue_indirect_dma source(%dma_start3A_48 : memref<50176x256xf32, #tpu.memory_space<hbm>>) target(%dma_start3A_43 : memref<64x256xf32, #tpu.memory_space<vmem>>) offsets(%dma_start3A_45 : memref<64xi32, #tpu.memory_space<vmem>>) semaphore(%dma_start3A_50 : memref<!tpu.dma_semaphore, #tpu.memory_space<semaphore_mem>>)
    %add3A_51 = arith.constant 64 : i32
    %add3A_52 = arith.addi %mul3A_2, %add3A_51 : i32
    %dma_start3A_53 = arith.constant 1 : i32
    %dma_start3A_54 = arith.constant 1 : i32
    %dma_start3A_55 = arith.constant 0 : i32
    %dma_start3A_56 = arith.constant 0 : i32
    %dma_start3A_57 = tpu.memref_slice %arg11[%dma_start3A_53, %dma_start3A_55, %dma_start3A_56] : memref<3x64x256xf32, #tpu.memory_space<vmem>> -> memref<1x64x256xf32, #tpu.memory_space<vmem>>
    %dma_start3A_58 = tpu.memref_squeeze %dma_start3A_57 : memref<1x64x256xf32, #tpu.memory_space<vmem>> -> memref<64x256xf32, #tpu.memory_space<vmem>>
    %dma_start3A_59 = arith.constant 0 : i32
    %dma_start3A_60 = tpu.memref_slice %arg4[%add3A_52, %dma_start3A_59] : memref<262144x256xf32, #tpu.memory_space<hbm>> -> memref<64x256xf32, #tpu.memory_space<hbm>>
    %dma_start3A_61 = tpu.memref_slice %arg13[%dma_start3A_54] : memref<3x!tpu.dma_semaphore, #tpu.memory_space<semaphore_mem>> -> memref<1x!tpu.dma_semaphore, #tpu.memory_space<semaphore_mem>>
    %dma_start3A_62 = tpu.memref_squeeze %dma_start3A_61 : memref<1x!tpu.dma_semaphore, #tpu.memory_space<semaphore_mem>> -> memref<!tpu.dma_semaphore, #tpu.memory_space<semaphore_mem>>
    %dma_start3A_63 = arith.constant 0 : i32
    %dma_start3A_64 = arith.constant 0 : i32
    %dma_start3A_65 = tpu.memref_slice %arg11[%dma_start3A_53, %dma_start3A_63, %dma_start3A_64] : memref<3x64x256xf32, #tpu.memory_space<vmem>> -> memref<1x64x256xf32, #tpu.memory_space<vmem>>
    %dma_start3A_66 = tpu.memref_squeeze %dma_start3A_65 : memref<1x64x256xf32, #tpu.memory_space<vmem>> -> memref<64x256xf32, #tpu.memory_space<vmem>>
    %dma_start3A_67 = arith.constant 0 : i32
    %dma_start3A_68 = tpu.memref_slice %arg4[%add3A_52, %dma_start3A_67] : memref<262144x256xf32, #tpu.memory_space<hbm>> -> memref<64x256xf32, #tpu.memory_space<hbm>>
    tpu.enqueue_dma source(%dma_start3A_68 : memref<64x256xf32, #tpu.memory_space<hbm>>) target(%dma_start3A_66 : memref<64x256xf32, #tpu.memory_space<vmem>>) target_semaphore(%dma_start3A_62 : memref<!tpu.dma_semaphore, #tpu.memory_space<semaphore_mem>>)
    %scan3A_69 = arith.constant 0 : i32
    %scan3A_70 = arith.constant 0 : i32
    %scan3A_71 = arith.constant 128 : i32
    %scan3A_72 = arith.addi %scan3A_70, %scan3A_71 : i32
    %scan3A_73 = arith.constant 1 : i32
    scf.for %scan3A_128 = %scan3A_70 to %scan3A_72 step %scan3A_73  : i32 {
      %rem3A = arith.constant 3 : i32
      %rem3A_129 = arith.remsi %scan3A_128, %rem3A : i32
      %add3A_130 = arith.constant 2 : i32
      %add3A_131 = arith.addi %scan3A_128, %add3A_130 : i32
      %rem3A_132 = arith.constant 3 : i32
      %rem3A_133 = arith.remsi %add3A_131, %rem3A_132 : i32
      %add3A_134 = arith.constant 2 : i32
      %add3A_135 = arith.addi %scan3A_128, %add3A_134 : i32
      %lt3A = arith.constant 128 : i32
      %lt3A_136 = arith.cmpi slt, %add3A_135, %lt3A : i32
      %convert_element_type3A = arith.extui %lt3A_136 : i1 to i32
      %cond3A = arith.constant 0 : i32
      %cond3A_137 = arith.cmpi ne, %convert_element_type3A, %cond3A : i32
      scf.if %cond3A_137 {
        %add3A_193 = arith.constant 2 : i32
        %add3A_194 = arith.addi %scan3A_128, %add3A_193 : i32
        %ge3A = arith.constant 3 : i32
        %ge3A_195 = arith.cmpi sge, %add3A_194, %ge3A : i32
        %convert_element_type3A_196 = arith.extui %ge3A_195 : i1 to i32
        %cond3A_197 = arith.constant 0 : i32
        %cond3A_198 = arith.cmpi ne, %convert_element_type3A_196, %cond3A_197 : i32
        scf.if %cond3A_198 {
          %dma_wait3A_230 = arith.constant 0 : i32
          %dma_wait3A_231 = arith.constant 0 : i32
          %dma_wait3A_232 = tpu.memref_slice %arg11[%rem3A_133, %dma_wait3A_230, %dma_wait3A_231] : memref<3x64x256xf32, #tpu.memory_space<vmem>> -> memref<1x64x256xf32, #tpu.memory_space<vmem>>
          %dma_wait3A_233 = tpu.memref_squeeze %dma_wait3A_232 : memref<1x64x256xf32, #tpu.memory_space<vmem>> -> memref<64x256xf32, #tpu.memory_space<vmem>>
          %dma_wait3A_234 = arith.constant 0 : i32
          %dma_wait3A_235 = arith.constant 0 : i32
          %dma_wait3A_236 = tpu.memref_slice %arg6[%dma_wait3A_234, %dma_wait3A_235] : memref<262144x256xf32, #tpu.memory_space<hbm>> -> memref<64x256xf32, #tpu.memory_space<hbm>>
          %dma_wait3A_237 = tpu.memref_slice %arg14[%rem3A_133] : memref<3x!tpu.dma_semaphore, #tpu.memory_space<semaphore_mem>> -> memref<1x!tpu.dma_semaphore, #tpu.memory_space<semaphore_mem>>
          %dma_wait3A_238 = tpu.memref_squeeze %dma_wait3A_237 : memref<1x!tpu.dma_semaphore, #tpu.memory_space<semaphore_mem>> -> memref<!tpu.dma_semaphore, #tpu.memory_space<semaphore_mem>>
          %dma_wait3A_239 = arith.constant 0 : i32
          %dma_wait3A_240 = arith.constant 0 : i32
          %dma_wait3A_241 = tpu.memref_slice %arg6[%dma_wait3A_239, %dma_wait3A_240] : memref<262144x256xf32, #tpu.memory_space<hbm>> -> memref<64x256xf32, #tpu.memory_space<hbm>>
          %dma_wait3A_242 = arith.constant 0 : i32
          %dma_wait3A_243 = arith.constant 0 : i32
          %dma_wait3A_244 = tpu.memref_slice %arg11[%rem3A_133, %dma_wait3A_242, %dma_wait3A_243] : memref<3x64x256xf32, #tpu.memory_space<vmem>> -> memref<1x64x256xf32, #tpu.memory_space<vmem>>
          %dma_wait3A_245 = tpu.memref_squeeze %dma_wait3A_244 : memref<1x64x256xf32, #tpu.memory_space<vmem>> -> memref<64x256xf32, #tpu.memory_space<vmem>>
          tpu.wait_dma2 semaphore(%dma_wait3A_238 : memref<!tpu.dma_semaphore, #tpu.memory_space<semaphore_mem>>) src(%dma_wait3A_245 : memref<64x256xf32, #tpu.memory_space<vmem>>) dst(%dma_wait3A_241 : memref<64x256xf32, #tpu.memory_space<hbm>>)
        } else {
        }
        %add3A_199 = arith.constant 2 : i32
        %add3A_200 = arith.addi %scan3A_128, %add3A_199 : i32
        %mul3A_201 = arith.constant 64 : i32
        %mul3A_202 = arith.muli %add3A_200, %mul3A_201 : i32
        %dma_start3A_203 = arith.constant 0 : i32
        %dma_start3A_204 = arith.constant 0 : i32
        %dma_start3A_205 = tpu.memref_slice %arg10[%rem3A_133, %dma_start3A_203, %dma_start3A_204] : memref<3x64x256xf32, #tpu.memory_space<vmem>> -> memref<1x64x256xf32, #tpu.memory_space<vmem>>
        %dma_start3A_206 = tpu.memref_squeeze %dma_start3A_205 : memref<1x64x256xf32, #tpu.memory_space<vmem>> -> memref<64x256xf32, #tpu.memory_space<vmem>>
        %dma_start3A_207 = tpu.memref_slice %arg9[%mul3A_202] : memref<8192xi32, #tpu.memory_space<vmem>> -> memref<64xi32, #tpu.memory_space<vmem>>
        %dma_start3A_208 = arith.constant 0 : i32
        %dma_start3A_209 = arith.constant 0 : i32
        %dma_start3A_210 = tpu.memref_slice %arg5[%dma_start3A_208, %dma_start3A_209] : memref<50176x256xf32, #tpu.memory_space<hbm>> -> memref<50176x256xf32, #tpu.memory_space<hbm>>
        %dma_start3A_211 = tpu.memref_slice %arg12[%rem3A_133] : memref<3x!tpu.dma_semaphore, #tpu.memory_space<semaphore_mem>> -> memref<1x!tpu.dma_semaphore, #tpu.memory_space<semaphore_mem>>
        %dma_start3A_212 = tpu.memref_squeeze %dma_start3A_211 : memref<1x!tpu.dma_semaphore, #tpu.memory_space<semaphore_mem>> -> memref<!tpu.dma_semaphore, #tpu.memory_space<semaphore_mem>>
        tpu.enqueue_indirect_dma source(%dma_start3A_210 : memref<50176x256xf32, #tpu.memory_space<hbm>>) target(%dma_start3A_206 : memref<64x256xf32, #tpu.memory_space<vmem>>) offsets(%dma_start3A_207 : memref<64xi32, #tpu.memory_space<vmem>>) semaphore(%dma_start3A_212 : memref<!tpu.dma_semaphore, #tpu.memory_space<semaphore_mem>>)
        %mul3A_213 = arith.constant 64 : i32
        %mul3A_214 = arith.muli %add3A_200, %mul3A_213 : i32
        %add3A_215 = arith.addi %mul3A_2, %mul3A_214 : i32
        %dma_start3A_216 = arith.constant 0 : i32
        %dma_start3A_217 = arith.constant 0 : i32
        %dma_start3A_218 = tpu.memref_slice %arg11[%rem3A_133, %dma_start3A_216, %dma_start3A_217] : memref<3x64x256xf32, #tpu.memory_space<vmem>> -> memref<1x64x256xf32, #tpu.memory_space<vmem>>
        %dma_start3A_219 = tpu.memref_squeeze %dma_start3A_218 : memref<1x64x256xf32, #tpu.memory_space<vmem>> -> memref<64x256xf32, #tpu.memory_space<vmem>>
        %dma_start3A_220 = arith.constant 0 : i32
        %dma_start3A_221 = tpu.memref_slice %arg4[%add3A_215, %dma_start3A_220] : memref<262144x256xf32, #tpu.memory_space<hbm>> -> memref<64x256xf32, #tpu.memory_space<hbm>>
        %dma_start3A_222 = tpu.memref_slice %arg13[%rem3A_133] : memref<3x!tpu.dma_semaphore, #tpu.memory_space<semaphore_mem>> -> memref<1x!tpu.dma_semaphore, #tpu.memory_space<semaphore_mem>>
        %dma_start3A_223 = tpu.memref_squeeze %dma_start3A_222 : memref<1x!tpu.dma_semaphore, #tpu.memory_space<semaphore_mem>> -> memref<!tpu.dma_semaphore, #tpu.memory_space<semaphore_mem>>
        %dma_start3A_224 = arith.constant 0 : i32
        %dma_start3A_225 = arith.constant 0 : i32
        %dma_start3A_226 = tpu.memref_slice %arg11[%rem3A_133, %dma_start3A_224, %dma_start3A_225] : memref<3x64x256xf32, #tpu.memory_space<vmem>> -> memref<1x64x256xf32, #tpu.memory_space<vmem>>
        %dma_start3A_227 = tpu.memref_squeeze %dma_start3A_226 : memref<1x64x256xf32, #tpu.memory_space<vmem>> -> memref<64x256xf32, #tpu.memory_space<vmem>>
        %dma_start3A_228 = arith.constant 0 : i32
        %dma_start3A_229 = tpu.memref_slice %arg4[%add3A_215, %dma_start3A_228] : memref<262144x256xf32, #tpu.memory_space<hbm>> -> memref<64x256xf32, #tpu.memory_space<hbm>>
        tpu.enqueue_dma source(%dma_start3A_229 : memref<64x256xf32, #tpu.memory_space<hbm>>) target(%dma_start3A_227 : memref<64x256xf32, #tpu.memory_space<vmem>>) target_semaphore(%dma_start3A_223 : memref<!tpu.dma_semaphore, #tpu.memory_space<semaphore_mem>>)
      } else {
      }
      %dma_wait3A_138 = arith.constant 0 : i32
      %dma_wait3A_139 = arith.constant 0 : i32
      %dma_wait3A_140 = tpu.memref_slice %arg10[%rem3A_129, %dma_wait3A_138, %dma_wait3A_139] : memref<3x64x256xf32, #tpu.memory_space<vmem>> -> memref<1x64x256xf32, #tpu.memory_space<vmem>>
      %dma_wait3A_141 = tpu.memref_squeeze %dma_wait3A_140 : memref<1x64x256xf32, #tpu.memory_space<vmem>> -> memref<64x256xf32, #tpu.memory_space<vmem>>
      %dma_wait3A_142 = arith.constant 0 : i32
      %dma_wait3A_143 = arith.constant 0 : i32
      %dma_wait3A_144 = tpu.memref_slice %arg4[%dma_wait3A_142, %dma_wait3A_143] : memref<262144x256xf32, #tpu.memory_space<hbm>> -> memref<64x256xf32, #tpu.memory_space<hbm>>
      %dma_wait3A_145 = tpu.memref_slice %arg12[%rem3A_129] : memref<3x!tpu.dma_semaphore, #tpu.memory_space<semaphore_mem>> -> memref<1x!tpu.dma_semaphore, #tpu.memory_space<semaphore_mem>>
      %dma_wait3A_146 = tpu.memref_squeeze %dma_wait3A_145 : memref<1x!tpu.dma_semaphore, #tpu.memory_space<semaphore_mem>> -> memref<!tpu.dma_semaphore, #tpu.memory_space<semaphore_mem>>
      %dma_wait3A_147 = arith.constant 0 : i32
      %dma_wait3A_148 = arith.constant 0 : i32
      %dma_wait3A_149 = tpu.memref_slice %arg10[%rem3A_129, %dma_wait3A_147, %dma_wait3A_148] : memref<3x64x256xf32, #tpu.memory_space<vmem>> -> memref<1x64x256xf32, #tpu.memory_space<vmem>>
      %dma_wait3A_150 = tpu.memref_squeeze %dma_wait3A_149 : memref<1x64x256xf32, #tpu.memory_space<vmem>> -> memref<64x256xf32, #tpu.memory_space<vmem>>
      %dma_wait3A_151 = arith.constant 0 : i32
      %dma_wait3A_152 = arith.constant 0 : i32
      %dma_wait3A_153 = tpu.memref_slice %arg4[%dma_wait3A_151, %dma_wait3A_152] : memref<262144x256xf32, #tpu.memory_space<hbm>> -> memref<64x256xf32, #tpu.memory_space<hbm>>
      tpu.wait_dma2 semaphore(%dma_wait3A_146 : memref<!tpu.dma_semaphore, #tpu.memory_space<semaphore_mem>>) src(%dma_wait3A_153 : memref<64x256xf32, #tpu.memory_space<hbm>>) dst(%dma_wait3A_150 : memref<64x256xf32, #tpu.memory_space<vmem>>)
      %dma_wait3A_154 = arith.constant 0 : i32
      %dma_wait3A_155 = arith.constant 0 : i32
      %dma_wait3A_156 = tpu.memref_slice %arg11[%rem3A_129, %dma_wait3A_154, %dma_wait3A_155] : memref<3x64x256xf32, #tpu.memory_space<vmem>> -> memref<1x64x256xf32, #tpu.memory_space<vmem>>
      %dma_wait3A_157 = tpu.memref_squeeze %dma_wait3A_156 : memref<1x64x256xf32, #tpu.memory_space<vmem>> -> memref<64x256xf32, #tpu.memory_space<vmem>>
      %dma_wait3A_158 = arith.constant 0 : i32
      %dma_wait3A_159 = arith.constant 0 : i32
      %dma_wait3A_160 = tpu.memref_slice %arg4[%dma_wait3A_158, %dma_wait3A_159] : memref<262144x256xf32, #tpu.memory_space<hbm>> -> memref<64x256xf32, #tpu.memory_space<hbm>>
      %dma_wait3A_161 = tpu.memref_slice %arg13[%rem3A_129] : memref<3x!tpu.dma_semaphore, #tpu.memory_space<semaphore_mem>> -> memref<1x!tpu.dma_semaphore, #tpu.memory_space<semaphore_mem>>
      %dma_wait3A_162 = tpu.memref_squeeze %dma_wait3A_161 : memref<1x!tpu.dma_semaphore, #tpu.memory_space<semaphore_mem>> -> memref<!tpu.dma_semaphore, #tpu.memory_space<semaphore_mem>>
      %dma_wait3A_163 = arith.constant 0 : i32
      %dma_wait3A_164 = arith.constant 0 : i32
      %dma_wait3A_165 = tpu.memref_slice %arg11[%rem3A_129, %dma_wait3A_163, %dma_wait3A_164] : memref<3x64x256xf32, #tpu.memory_space<vmem>> -> memref<1x64x256xf32, #tpu.memory_space<vmem>>
      %dma_wait3A_166 = tpu.memref_squeeze %dma_wait3A_165 : memref<1x64x256xf32, #tpu.memory_space<vmem>> -> memref<64x256xf32, #tpu.memory_space<vmem>>
      %dma_wait3A_167 = arith.constant 0 : i32
      %dma_wait3A_168 = arith.constant 0 : i32
      %dma_wait3A_169 = tpu.memref_slice %arg4[%dma_wait3A_167, %dma_wait3A_168] : memref<262144x256xf32, #tpu.memory_space<hbm>> -> memref<64x256xf32, #tpu.memory_space<hbm>>
      tpu.wait_dma2 semaphore(%dma_wait3A_162 : memref<!tpu.dma_semaphore, #tpu.memory_space<semaphore_mem>>) src(%dma_wait3A_169 : memref<64x256xf32, #tpu.memory_space<hbm>>) dst(%dma_wait3A_166 : memref<64x256xf32, #tpu.memory_space<vmem>>)
      %scan3A_170 = arith.constant 0 : i32
      %scan3A_171 = arith.constant 0 : i32
      %scan3A_172 = arith.constant 32 : i32
      %scan3A_173 = arith.addi %scan3A_171, %scan3A_172 : i32
      %scan3A_174 = arith.constant 1 : i32
      scf.for %scan3A_193 = %scan3A_171 to %scan3A_173 step %scan3A_174  : i32 {
        %mul3A_194 = arith.constant 2 : i32
        %mul3A_195 = arith.muli %scan3A_193, %mul3A_194 : i32
        %add3A_196 = arith.constant 0 : i32
        %add3A_197 = arith.addi %mul3A_195, %add3A_196 : i32
        %get3A = arith.index_cast %rem3A_129 : i32 to index
        %get3A_198 = arith.index_cast %add3A_197 : i32 to index
        %get3A_199 = arith.constant 0 : index
        %get3A_200 = tpu.vector_load %arg10[%get3A, %get3A_198, %get3A_199] {strides = array<i32>} : memref<3x64x256xf32, #tpu.memory_space<vmem>>, vector<1x1x16xf32>,
        %get3A_201 = vector.shape_cast %get3A_200 : vector<1x1x16xf32> to vector<16xf32>
        %swap3A = arith.index_cast %rem3A_129 : i32 to index
        %swap3A_202 = arith.index_cast %add3A_197 : i32 to index
        %swap3A_203 = arith.constant 0 : index
        %swap3A_204 = tpu.vector_load %arg11[%swap3A, %swap3A_202, %swap3A_203] {strides = array<i32>} : memref<3x64x256xf32, #tpu.memory_space<vmem>>, vector<1x1x16xf32>,
        %swap3A_205 = vector.shape_cast %swap3A_204 : vector<1x1x16xf32> to vector<16xf32>
        %swap3A_206 = vector.shape_cast %get3A_201 : vector<16xf32> to vector<1x1x16xf32>
        tpu.vector_store %arg11[%swap3A, %swap3A_202, %swap3A_203], %swap3A_206 {add = true, strides = array<i32>} : memref<3x64x256xf32, #tpu.memory_space<vmem>>, vector<1x1x16xf32>,
        %get3A_207 = arith.index_cast %rem3A_129 : i32 to index
        %get3A_208 = arith.index_cast %add3A_197 : i32 to index
        %get3A_209 = arith.constant 16 : index
        %get3A_210 = tpu.vector_load %arg10[%get3A_207, %get3A_208, %get3A_209] {strides = array<i32>} : memref<3x64x256xf32, #tpu.memory_space<vmem>>, vector<1x1x16xf32>,
        %get3A_211 = vector.shape_cast %get3A_210 : vector<1x1x16xf32> to vector<16xf32>
        %swap3A_212 = arith.index_cast %rem3A_129 : i32 to index
        %swap3A_213 = arith.index_cast %add3A_197 : i32 to index
        %swap3A_214 = arith.constant 16 : index
        %swap3A_215 = tpu.vector_load %arg11[%swap3A_212, %swap3A_213, %swap3A_214] {strides = array<i32>} : memref<3x64x256xf32, #tpu.memory_space<vmem>>, vector<1x1x16xf32>,
        %swap3A_216 = vector.shape_cast %swap3A_215 : vector<1x1x16xf32> to vector<16xf32>
        %swap3A_217 = vector.shape_cast %get3A_211 : vector<16xf32> to vector<1x1x16xf32>
        tpu.vector_store %arg11[%swap3A_212, %swap3A_213, %swap3A_214], %swap3A_217 {add = true, strides = array<i32>} : memref<3x64x256xf32, #tpu.memory_space<vmem>>, vector<1x1x16xf32>,
        %get3A_218 = arith.index_cast %rem3A_129 : i32 to index
        %get3A_219 = arith.index_cast %add3A_197 : i32 to index
        %get3A_220 = arith.constant 32 : index
        %get3A_221 = tpu.vector_load %arg10[%get3A_218, %get3A_219, %get3A_220] {strides = array<i32>} : memref<3x64x256xf32, #tpu.memory_space<vmem>>, vector<1x1x16xf32>,
        %get3A_222 = vector.shape_cast %get3A_221 : vector<1x1x16xf32> to vector<16xf32>
        %swap3A_223 = arith.index_cast %rem3A_129 : i32 to index
        %swap3A_224 = arith.index_cast %add3A_197 : i32 to index
        %swap3A_225 = arith.constant 32 : index
        %swap3A_226 = tpu.vector_load %arg11[%swap3A_223, %swap3A_224, %swap3A_225] {strides = array<i32>} : memref<3x64x256xf32, #tpu.memory_space<vmem>>, vector<1x1x16xf32>,
        %swap3A_227 = vector.shape_cast %swap3A_226 : vector<1x1x16xf32> to vector<16xf32>
        %swap3A_228 = vector.shape_cast %get3A_222 : vector<16xf32> to vector<1x1x16xf32>
        tpu.vector_store %arg11[%swap3A_223, %swap3A_224, %swap3A_225], %swap3A_228 {add = true, strides = array<i32>} : memref<3x64x256xf32, #tpu.memory_space<vmem>>, vector<1x1x16xf32>,
        %get3A_229 = arith.index_cast %rem3A_129 : i32 to index
        %get3A_230 = arith.index_cast %add3A_197 : i32 to index
        %get3A_231 = arith.constant 48 : index
        %get3A_232 = tpu.vector_load %arg10[%get3A_229, %get3A_230, %get3A_231] {strides = array<i32>} : memref<3x64x256xf32, #tpu.memory_space<vmem>>, vector<1x1x16xf32>,
        %get3A_233 = vector.shape_cast %get3A_232 : vector<1x1x16xf32> to vector<16xf32>
        %swap3A_234 = arith.index_cast %rem3A_129 : i32 to index
        %swap3A_235 = arith.index_cast %add3A_197 : i32 to index
        %swap3A_236 = arith.constant 48 : index
        %swap3A_237 = tpu.vector_load %arg11[%swap3A_234, %swap3A_235, %swap3A_236] {strides = array<i32>} : memref<3x64x256xf32, #tpu.memory_space<vmem>>, vector<1x1x16xf32>,
        %swap3A_238 = vector.shape_cast %swap3A_237 : vector<1x1x16xf32> to vector<16xf32>
        %swap3A_239 = vector.shape_cast %get3A_233 : vector<16xf32> to vector<1x1x16xf32>
        tpu.vector_store %arg11[%swap3A_234, %swap3A_235, %swap3A_236], %swap3A_239 {add = true, strides = array<i32>} : memref<3x64x256xf32, #tpu.memory_space<vmem>>, vector<1x1x16xf32>,
        %get3A_240 = arith.index_cast %rem3A_129 : i32 to index
        %get3A_241 = arith.index_cast %add3A_197 : i32 to index
        %get3A_242 = arith.constant 64 : index
        %get3A_243 = tpu.vector_load %arg10[%get3A_240, %get3A_241, %get3A_242] {strides = array<i32>} : memref<3x64x256xf32, #tpu.memory_space<vmem>>, vector<1x1x16xf32>,
        %get3A_244 = vector.shape_cast %get3A_243 : vector<1x1x16xf32> to vector<16xf32>
        %swap3A_245 = arith.index_cast %rem3A_129 : i32 to index
        %swap3A_246 = arith.index_cast %add3A_197 : i32 to index
        %swap3A_247 = arith.constant 64 : index
        %swap3A_248 = tpu.vector_load %arg11[%swap3A_245, %swap3A_246, %swap3A_247] {strides = array<i32>} : memref<3x64x256xf32, #tpu.memory_space<vmem>>, vector<1x1x16xf32>,
        %swap3A_249 = vector.shape_cast %swap3A_248 : vector<1x1x16xf32> to vector<16xf32>
        %swap3A_250 = vector.shape_cast %get3A_244 : vector<16xf32> to vector<1x1x16xf32>
        tpu.vector_store %arg11[%swap3A_245, %swap3A_246, %swap3A_247], %swap3A_250 {add = true, strides = array<i32>} : memref<3x64x256xf32, #tpu.memory_space<vmem>>, vector<1x1x16xf32>,
        %get3A_251 = arith.index_cast %rem3A_129 : i32 to index
        %get3A_252 = arith.index_cast %add3A_197 : i32 to index
        %get3A_253 = arith.constant 80 : index
        %get3A_254 = tpu.vector_load %arg10[%get3A_251, %get3A_252, %get3A_253] {strides = array<i32>} : memref<3x64x256xf32, #tpu.memory_space<vmem>>, vector<1x1x16xf32>,
        %get3A_255 = vector.shape_cast %get3A_254 : vector<1x1x16xf32> to vector<16xf32>
        %swap3A_256 = arith.index_cast %rem3A_129 : i32 to index
        %swap3A_257 = arith.index_cast %add3A_197 : i32 to index
        %swap3A_258 = arith.constant 80 : index
        %swap3A_259 = tpu.vector_load %arg11[%swap3A_256, %swap3A_257, %swap3A_258] {strides = array<i32>} : memref<3x64x256xf32, #tpu.memory_space<vmem>>, vector<1x1x16xf32>,
        %swap3A_260 = vector.shape_cast %swap3A_259 : vector<1x1x16xf32> to vector<16xf32>
        %swap3A_261 = vector.shape_cast %get3A_255 : vector<16xf32> to vector<1x1x16xf32>
        tpu.vector_store %arg11[%swap3A_256, %swap3A_257, %swap3A_258], %swap3A_261 {add = true, strides = array<i32>} : memref<3x64x256xf32, #tpu.memory_space<vmem>>, vector<1x1x16xf32>,
        %get3A_262 = arith.index_cast %rem3A_129 : i32 to index
        %get3A_263 = arith.index_cast %add3A_197 : i32 to index
        %get3A_264 = arith.constant 96 : index
        %get3A_265 = tpu.vector_load %arg10[%get3A_262, %get3A_263, %get3A_264] {strides = array<i32>} : memref<3x64x256xf32, #tpu.memory_space<vmem>>, vector<1x1x16xf32>,
        %get3A_266 = vector.shape_cast %get3A_265 : vector<1x1x16xf32> to vector<16xf32>
        %swap3A_267 = arith.index_cast %rem3A_129 : i32 to index
        %swap3A_268 = arith.index_cast %add3A_197 : i32 to index
        %swap3A_269 = arith.constant 96 : index
        %swap3A_270 = tpu.vector_load %arg11[%swap3A_267, %swap3A_268, %swap3A_269] {strides = array<i32>} : memref<3x64x256xf32, #tpu.memory_space<vmem>>, vector<1x1x16xf32>,
        %swap3A_271 = vector.shape_cast %swap3A_270 : vector<1x1x16xf32> to vector<16xf32>
        %swap3A_272 = vector.shape_cast %get3A_266 : vector<16xf32> to vector<1x1x16xf32>
        tpu.vector_store %arg11[%swap3A_267, %swap3A_268, %swap3A_269], %swap3A_272 {add = true, strides = array<i32>} : memref<3x64x256xf32, #tpu.memory_space<vmem>>, vector<1x1x16xf32>,
        %get3A_273 = arith.index_cast %rem3A_129 : i32 to index
        %get3A_274 = arith.index_cast %add3A_197 : i32 to index
        %get3A_275 = arith.constant 112 : index
        %get3A_276 = tpu.vector_load %arg10[%get3A_273, %get3A_274, %get3A_275] {strides = array<i32>} : memref<3x64x256xf32, #tpu.memory_space<vmem>>, vector<1x1x16xf32>,
        %get3A_277 = vector.shape_cast %get3A_276 : vector<1x1x16xf32> to vector<16xf32>
        %swap3A_278 = arith.index_cast %rem3A_129 : i32 to index
        %swap3A_279 = arith.index_cast %add3A_197 : i32 to index
        %swap3A_280 = arith.constant 112 : index
        %swap3A_281 = tpu.vector_load %arg11[%swap3A_278, %swap3A_279, %swap3A_280] {strides = array<i32>} : memref<3x64x256xf32, #tpu.memory_space<vmem>>, vector<1x1x16xf32>,
        %swap3A_282 = vector.shape_cast %swap3A_281 : vector<1x1x16xf32> to vector<16xf32>
        %swap3A_283 = vector.shape_cast %get3A_277 : vector<16xf32> to vector<1x1x16xf32>
        tpu.vector_store %arg11[%swap3A_278, %swap3A_279, %swap3A_280], %swap3A_283 {add = true, strides = array<i32>} : memref<3x64x256xf32, #tpu.memory_space<vmem>>, vector<1x1x16xf32>,
        %get3A_284 = arith.index_cast %rem3A_129 : i32 to index
        %get3A_285 = arith.index_cast %add3A_197 : i32 to index
        %get3A_286 = arith.constant 128 : index
        %get3A_287 = tpu.vector_load %arg10[%get3A_284, %get3A_285, %get3A_286] {strides = array<i32>} : memref<3x64x256xf32, #tpu.memory_space<vmem>>, vector<1x1x16xf32>,
        %get3A_288 = vector.shape_cast %get3A_287 : vector<1x1x16xf32> to vector<16xf32>
        %swap3A_289 = arith.index_cast %rem3A_129 : i32 to index
        %swap3A_290 = arith.index_cast %add3A_197 : i32 to index
        %swap3A_291 = arith.constant 128 : index
        %swap3A_292 = tpu.vector_load %arg11[%swap3A_289, %swap3A_290, %swap3A_291] {strides = array<i32>} : memref<3x64x256xf32, #tpu.memory_space<vmem>>, vector<1x1x16xf32>,
        %swap3A_293 = vector.shape_cast %swap3A_292 : vector<1x1x16xf32> to vector<16xf32>
        %swap3A_294 = vector.shape_cast %get3A_288 : vector<16xf32> to vector<1x1x16xf32>
        tpu.vector_store %arg11[%swap3A_289, %swap3A_290, %swap3A_291], %swap3A_294 {add = true, strides = array<i32>} : memref<3x64x256xf32, #tpu.memory_space<vmem>>, vector<1x1x16xf32>,
        %get3A_295 = arith.index_cast %rem3A_129 : i32 to index
        %get3A_296 = arith.index_cast %add3A_197 : i32 to index
        %get3A_297 = arith.constant 144 : index
        %get3A_298 = tpu.vector_load %arg10[%get3A_295, %get3A_296, %get3A_297] {strides = array<i32>} : memref<3x64x256xf32, #tpu.memory_space<vmem>>, vector<1x1x16xf32>,
        %get3A_299 = vector.shape_cast %get3A_298 : vector<1x1x16xf32> to vector<16xf32>
        %swap3A_300 = arith.index_cast %rem3A_129 : i32 to index
        %swap3A_301 = arith.index_cast %add3A_197 : i32 to index
        %swap3A_302 = arith.constant 144 : index
        %swap3A_303 = tpu.vector_load %arg11[%swap3A_300, %swap3A_301, %swap3A_302] {strides = array<i32>} : memref<3x64x256xf32, #tpu.memory_space<vmem>>, vector<1x1x16xf32>,
        %swap3A_304 = vector.shape_cast %swap3A_303 : vector<1x1x16xf32> to vector<16xf32>
        %swap3A_305 = vector.shape_cast %get3A_299 : vector<16xf32> to vector<1x1x16xf32>
        tpu.vector_store %arg11[%swap3A_300, %swap3A_301, %swap3A_302], %swap3A_305 {add = true, strides = array<i32>} : memref<3x64x256xf32, #tpu.memory_space<vmem>>, vector<1x1x16xf32>,
        %get3A_306 = arith.index_cast %rem3A_129 : i32 to index
        %get3A_307 = arith.index_cast %add3A_197 : i32 to index
        %get3A_308 = arith.constant 160 : index
        %get3A_309 = tpu.vector_load %arg10[%get3A_306, %get3A_307, %get3A_308] {strides = array<i32>} : memref<3x64x256xf32, #tpu.memory_space<vmem>>, vector<1x1x16xf32>,
        %get3A_310 = vector.shape_cast %get3A_309 : vector<1x1x16xf32> to vector<16xf32>
        %swap3A_311 = arith.index_cast %rem3A_129 : i32 to index
        %swap3A_312 = arith.index_cast %add3A_197 : i32 to index
        %swap3A_313 = arith.constant 160 : index
        %swap3A_314 = tpu.vector_load %arg11[%swap3A_311, %swap3A_312, %swap3A_313] {strides = array<i32>} : memref<3x64x256xf32, #tpu.memory_space<vmem>>, vector<1x1x16xf32>,
        %swap3A_315 = vector.shape_cast %swap3A_314 : vector<1x1x16xf32> to vector<16xf32>
        %swap3A_316 = vector.shape_cast %get3A_310 : vector<16xf32> to vector<1x1x16xf32>
        tpu.vector_store %arg11[%swap3A_311, %swap3A_312, %swap3A_313], %swap3A_316 {add = true, strides = array<i32>} : memref<3x64x256xf32, #tpu.memory_space<vmem>>, vector<1x1x16xf32>,
        %get3A_317 = arith.index_cast %rem3A_129 : i32 to index
        %get3A_318 = arith.index_cast %add3A_197 : i32 to index
        %get3A_319 = arith.constant 176 : index
        %get3A_320 = tpu.vector_load %arg10[%get3A_317, %get3A_318, %get3A_319] {strides = array<i32>} : memref<3x64x256xf32, #tpu.memory_space<vmem>>, vector<1x1x16xf32>,
        %get3A_321 = vector.shape_cast %get3A_320 : vector<1x1x16xf32> to vector<16xf32>
        %swap3A_322 = arith.index_cast %rem3A_129 : i32 to index
        %swap3A_323 = arith.index_cast %add3A_197 : i32 to index
        %swap3A_324 = arith.constant 176 : index
        %swap3A_325 = tpu.vector_load %arg11[%swap3A_322, %swap3A_323, %swap3A_324] {strides = array<i32>} : memref<3x64x256xf32, #tpu.memory_space<vmem>>, vector<1x1x16xf32>,
        %swap3A_326 = vector.shape_cast %swap3A_325 : vector<1x1x16xf32> to vector<16xf32>
        %swap3A_327 = vector.shape_cast %get3A_321 : vector<16xf32> to vector<1x1x16xf32>
        tpu.vector_store %arg11[%swap3A_322, %swap3A_323, %swap3A_324], %swap3A_327 {add = true, strides = array<i32>} : memref<3x64x256xf32, #tpu.memory_space<vmem>>, vector<1x1x16xf32>,
        %get3A_328 = arith.index_cast %rem3A_129 : i32 to index
        %get3A_329 = arith.index_cast %add3A_197 : i32 to index
        %get3A_330 = arith.constant 192 : index
        %get3A_331 = tpu.vector_load %arg10[%get3A_328, %get3A_329, %get3A_330] {strides = array<i32>} : memref<3x64x256xf32, #tpu.memory_space<vmem>>, vector<1x1x16xf32>,
        %get3A_332 = vector.shape_cast %get3A_331 : vector<1x1x16xf32> to vector<16xf32>
        %swap3A_333 = arith.index_cast %rem3A_129 : i32 to index
        %swap3A_334 = arith.index_cast %add3A_197 : i32 to index
        %swap3A_335 = arith.constant 192 : index
        %swap3A_336 = tpu.vector_load %arg11[%swap3A_333, %swap3A_334, %swap3A_335] {strides = array<i32>} : memref<3x64x256xf32, #tpu.memory_space<vmem>>, vector<1x1x16xf32>,
        %swap3A_337 = vector.shape_cast %swap3A_336 : vector<1x1x16xf32> to vector<16xf32>
        %swap3A_338 = vector.shape_cast %get3A_332 : vector<16xf32> to vector<1x1x16xf32>
        tpu.vector_store %arg11[%swap3A_333, %swap3A_334, %swap3A_335], %swap3A_338 {add = true, strides = array<i32>} : memref<3x64x256xf32, #tpu.memory_space<vmem>>, vector<1x1x16xf32>,
        %get3A_339 = arith.index_cast %rem3A_129 : i32 to index
        %get3A_340 = arith.index_cast %add3A_197 : i32 to index
        %get3A_341 = arith.constant 208 : index
        %get3A_342 = tpu.vector_load %arg10[%get3A_339, %get3A_340, %get3A_341] {strides = array<i32>} : memref<3x64x256xf32, #tpu.memory_space<vmem>>, vector<1x1x16xf32>,
        %get3A_343 = vector.shape_cast %get3A_342 : vector<1x1x16xf32> to vector<16xf32>
        %swap3A_344 = arith.index_cast %rem3A_129 : i32 to index
        %swap3A_345 = arith.index_cast %add3A_197 : i32 to index
        %swap3A_346 = arith.constant 208 : index
        %swap3A_347 = tpu.vector_load %arg11[%swap3A_344, %swap3A_345, %swap3A_346] {strides = array<i32>} : memref<3x64x256xf32, #tpu.memory_space<vmem>>, vector<1x1x16xf32>,
        %swap3A_348 = vector.shape_cast %swap3A_347 : vector<1x1x16xf32> to vector<16xf32>
        %swap3A_349 = vector.shape_cast %get3A_343 : vector<16xf32> to vector<1x1x16xf32>
        tpu.vector_store %arg11[%swap3A_344, %swap3A_345, %swap3A_346], %swap3A_349 {add = true, strides = array<i32>} : memref<3x64x256xf32, #tpu.memory_space<vmem>>, vector<1x1x16xf32>,
        %get3A_350 = arith.index_cast %rem3A_129 : i32 to index
        %get3A_351 = arith.index_cast %add3A_197 : i32 to index
        %get3A_352 = arith.constant 224 : index
        %get3A_353 = tpu.vector_load %arg10[%get3A_350, %get3A_351, %get3A_352] {strides = array<i32>} : memref<3x64x256xf32, #tpu.memory_space<vmem>>, vector<1x1x16xf32>,
        %get3A_354 = vector.shape_cast %get3A_353 : vector<1x1x16xf32> to vector<16xf32>
        %swap3A_355 = arith.index_cast %rem3A_129 : i32 to index
        %swap3A_356 = arith.index_cast %add3A_197 : i32 to index
        %swap3A_357 = arith.constant 224 : index
        %swap3A_358 = tpu.vector_load %arg11[%swap3A_355, %swap3A_356, %swap3A_357] {strides = array<i32>} : memref<3x64x256xf32, #tpu.memory_space<vmem>>, vector<1x1x16xf32>,
        %swap3A_359 = vector.shape_cast %swap3A_358 : vector<1x1x16xf32> to vector<16xf32>
        %swap3A_360 = vector.shape_cast %get3A_354 : vector<16xf32> to vector<1x1x16xf32>
        tpu.vector_store %arg11[%swap3A_355, %swap3A_356, %swap3A_357], %swap3A_360 {add = true, strides = array<i32>} : memref<3x64x256xf32, #tpu.memory_space<vmem>>, vector<1x1x16xf32>,
        %get3A_361 = arith.index_cast %rem3A_129 : i32 to index
        %get3A_362 = arith.index_cast %add3A_197 : i32 to index
        %get3A_363 = arith.constant 240 : index
        %get3A_364 = tpu.vector_load %arg10[%get3A_361, %get3A_362, %get3A_363] {strides = array<i32>} : memref<3x64x256xf32, #tpu.memory_space<vmem>>, vector<1x1x16xf32>,
        %get3A_365 = vector.shape_cast %get3A_364 : vector<1x1x16xf32> to vector<16xf32>
        %swap3A_366 = arith.index_cast %rem3A_129 : i32 to index
        %swap3A_367 = arith.index_cast %add3A_197 : i32 to index
        %swap3A_368 = arith.constant 240 : index
        %swap3A_369 = tpu.vector_load %arg11[%swap3A_366, %swap3A_367, %swap3A_368] {strides = array<i32>} : memref<3x64x256xf32, #tpu.memory_space<vmem>>, vector<1x1x16xf32>,
        %swap3A_370 = vector.shape_cast %swap3A_369 : vector<1x1x16xf32> to vector<16xf32>
        %swap3A_371 = vector.shape_cast %get3A_365 : vector<16xf32> to vector<1x1x16xf32>
        tpu.vector_store %arg11[%swap3A_366, %swap3A_367, %swap3A_368], %swap3A_371 {add = true, strides = array<i32>} : memref<3x64x256xf32, #tpu.memory_space<vmem>>, vector<1x1x16xf32>,
        %mul3A_372 = arith.constant 2 : i32
        %mul3A_373 = arith.muli %scan3A_193, %mul3A_372 : i32
        %add3A_374 = arith.constant 1 : i32
        %add3A_375 = arith.addi %mul3A_373, %add3A_374 : i32
        %get3A_376 = arith.index_cast %rem3A_129 : i32 to index
        %get3A_377 = arith.index_cast %add3A_375 : i32 to index
        %get3A_378 = arith.constant 0 : index
        %get3A_379 = tpu.vector_load %arg10[%get3A_376, %get3A_377, %get3A_378] {strides = array<i32>} : memref<3x64x256xf32, #tpu.memory_space<vmem>>, vector<1x1x16xf32>,
        %get3A_380 = vector.shape_cast %get3A_379 : vector<1x1x16xf32> to vector<16xf32>
        %swap3A_381 = arith.index_cast %rem3A_129 : i32 to index
        %swap3A_382 = arith.index_cast %add3A_375 : i32 to index
        %swap3A_383 = arith.constant 0 : index
        %swap3A_384 = tpu.vector_load %arg11[%swap3A_381, %swap3A_382, %swap3A_383] {strides = array<i32>} : memref<3x64x256xf32, #tpu.memory_space<vmem>>, vector<1x1x16xf32>,
        %swap3A_385 = vector.shape_cast %swap3A_384 : vector<1x1x16xf32> to vector<16xf32>
        %swap3A_386 = vector.shape_cast %get3A_380 : vector<16xf32> to vector<1x1x16xf32>
        tpu.vector_store %arg11[%swap3A_381, %swap3A_382, %swap3A_383], %swap3A_386 {add = true, strides = array<i32>} : memref<3x64x256xf32, #tpu.memory_space<vmem>>, vector<1x1x16xf32>,
        %get3A_387 = arith.index_cast %rem3A_129 : i32 to index
        %get3A_388 = arith.index_cast %add3A_375 : i32 to index
        %get3A_389 = arith.constant 16 : index
        %get3A_390 = tpu.vector_load %arg10[%get3A_387, %get3A_388, %get3A_389] {strides = array<i32>} : memref<3x64x256xf32, #tpu.memory_space<vmem>>, vector<1x1x16xf32>,
        %get3A_391 = vector.shape_cast %get3A_390 : vector<1x1x16xf32> to vector<16xf32>
        %swap3A_392 = arith.index_cast %rem3A_129 : i32 to index
        %swap3A_393 = arith.index_cast %add3A_375 : i32 to index
        %swap3A_394 = arith.constant 16 : index
        %swap3A_395 = tpu.vector_load %arg11[%swap3A_392, %swap3A_393, %swap3A_394] {strides = array<i32>} : memref<3x64x256xf32, #tpu.memory_space<vmem>>, vector<1x1x16xf32>,
        %swap3A_396 = vector.shape_cast %swap3A_395 : vector<1x1x16xf32> to vector<16xf32>
        %swap3A_397 = vector.shape_cast %get3A_391 : vector<16xf32> to vector<1x1x16xf32>
        tpu.vector_store %arg11[%swap3A_392, %swap3A_393, %swap3A_394], %swap3A_397 {add = true, strides = array<i32>} : memref<3x64x256xf32, #tpu.memory_space<vmem>>, vector<1x1x16xf32>,
        %get3A_398 = arith.index_cast %rem3A_129 : i32 to index
        %get3A_399 = arith.index_cast %add3A_375 : i32 to index
        %get3A_400 = arith.constant 32 : index
        %get3A_401 = tpu.vector_load %arg10[%get3A_398, %get3A_399, %get3A_400] {strides = array<i32>} : memref<3x64x256xf32, #tpu.memory_space<vmem>>, vector<1x1x16xf32>,
        %get3A_402 = vector.shape_cast %get3A_401 : vector<1x1x16xf32> to vector<16xf32>
        %swap3A_403 = arith.index_cast %rem3A_129 : i32 to index
        %swap3A_404 = arith.index_cast %add3A_375 : i32 to index
        %swap3A_405 = arith.constant 32 : index
        %swap3A_406 = tpu.vector_load %arg11[%swap3A_403, %swap3A_404, %swap3A_405] {strides = array<i32>} : memref<3x64x256xf32, #tpu.memory_space<vmem>>, vector<1x1x16xf32>,
        %swap3A_407 = vector.shape_cast %swap3A_406 : vector<1x1x16xf32> to vector<16xf32>
        %swap3A_408 = vector.shape_cast %get3A_402 : vector<16xf32> to vector<1x1x16xf32>
        tpu.vector_store %arg11[%swap3A_403, %swap3A_404, %swap3A_405], %swap3A_408 {add = true, strides = array<i32>} : memref<3x64x256xf32, #tpu.memory_space<vmem>>, vector<1x1x16xf32>,
        %get3A_409 = arith.index_cast %rem3A_129 : i32 to index
        %get3A_410 = arith.index_cast %add3A_375 : i32 to index
        %get3A_411 = arith.constant 48 : index
        %get3A_412 = tpu.vector_load %arg10[%get3A_409, %get3A_410, %get3A_411] {strides = array<i32>} : memref<3x64x256xf32, #tpu.memory_space<vmem>>, vector<1x1x16xf32>,
        %get3A_413 = vector.shape_cast %get3A_412 : vector<1x1x16xf32> to vector<16xf32>
        %swap3A_414 = arith.index_cast %rem3A_129 : i32 to index
        %swap3A_415 = arith.index_cast %add3A_375 : i32 to index
        %swap3A_416 = arith.constant 48 : index
        %swap3A_417 = tpu.vector_load %arg11[%swap3A_414, %swap3A_415, %swap3A_416] {strides = array<i32>} : memref<3x64x256xf32, #tpu.memory_space<vmem>>, vector<1x1x16xf32>,
        %swap3A_418 = vector.shape_cast %swap3A_417 : vector<1x1x16xf32> to vector<16xf32>
        %swap3A_419 = vector.shape_cast %get3A_413 : vector<16xf32> to vector<1x1x16xf32>
        tpu.vector_store %arg11[%swap3A_414, %swap3A_415, %swap3A_416], %swap3A_419 {add = true, strides = array<i32>} : memref<3x64x256xf32, #tpu.memory_space<vmem>>, vector<1x1x16xf32>,
        %get3A_420 = arith.index_cast %rem3A_129 : i32 to index
        %get3A_421 = arith.index_cast %add3A_375 : i32 to index
        %get3A_422 = arith.constant 64 : index
        %get3A_423 = tpu.vector_load %arg10[%get3A_420, %get3A_421, %get3A_422] {strides = array<i32>} : memref<3x64x256xf32, #tpu.memory_space<vmem>>, vector<1x1x16xf32>,
        %get3A_424 = vector.shape_cast %get3A_423 : vector<1x1x16xf32> to vector<16xf32>
        %swap3A_425 = arith.index_cast %rem3A_129 : i32 to index
        %swap3A_426 = arith.index_cast %add3A_375 : i32 to index
        %swap3A_427 = arith.constant 64 : index
        %swap3A_428 = tpu.vector_load %arg11[%swap3A_425, %swap3A_426, %swap3A_427] {strides = array<i32>} : memref<3x64x256xf32, #tpu.memory_space<vmem>>, vector<1x1x16xf32>,
        %swap3A_429 = vector.shape_cast %swap3A_428 : vector<1x1x16xf32> to vector<16xf32>
        %swap3A_430 = vector.shape_cast %get3A_424 : vector<16xf32> to vector<1x1x16xf32>
        tpu.vector_store %arg11[%swap3A_425, %swap3A_426, %swap3A_427], %swap3A_430 {add = true, strides = array<i32>} : memref<3x64x256xf32, #tpu.memory_space<vmem>>, vector<1x1x16xf32>,
        %get3A_431 = arith.index_cast %rem3A_129 : i32 to index
        %get3A_432 = arith.index_cast %add3A_375 : i32 to index
        %get3A_433 = arith.constant 80 : index
        %get3A_434 = tpu.vector_load %arg10[%get3A_431, %get3A_432, %get3A_433] {strides = array<i32>} : memref<3x64x256xf32, #tpu.memory_space<vmem>>, vector<1x1x16xf32>,
        %get3A_435 = vector.shape_cast %get3A_434 : vector<1x1x16xf32> to vector<16xf32>
        %swap3A_436 = arith.index_cast %rem3A_129 : i32 to index
        %swap3A_437 = arith.index_cast %add3A_375 : i32 to index
        %swap3A_438 = arith.constant 80 : index
        %swap3A_439 = tpu.vector_load %arg11[%swap3A_436, %swap3A_437, %swap3A_438] {strides = array<i32>} : memref<3x64x256xf32, #tpu.memory_space<vmem>>, vector<1x1x16xf32>,
        %swap3A_440 = vector.shape_cast %swap3A_439 : vector<1x1x16xf32> to vector<16xf32>
        %swap3A_441 = vector.shape_cast %get3A_435 : vector<16xf32> to vector<1x1x16xf32>
        tpu.vector_store %arg11[%swap3A_436, %swap3A_437, %swap3A_438], %swap3A_441 {add = true, strides = array<i32>} : memref<3x64x256xf32, #tpu.memory_space<vmem>>, vector<1x1x16xf32>,
        %get3A_442 = arith.index_cast %rem3A_129 : i32 to index
        %get3A_443 = arith.index_cast %add3A_375 : i32 to index
        %get3A_444 = arith.constant 96 : index
        %get3A_445 = tpu.vector_load %arg10[%get3A_442, %get3A_443, %get3A_444] {strides = array<i32>} : memref<3x64x256xf32, #tpu.memory_space<vmem>>, vector<1x1x16xf32>,
        %get3A_446 = vector.shape_cast %get3A_445 : vector<1x1x16xf32> to vector<16xf32>
        %swap3A_447 = arith.index_cast %rem3A_129 : i32 to index
        %swap3A_448 = arith.index_cast %add3A_375 : i32 to index
        %swap3A_449 = arith.constant 96 : index
        %swap3A_450 = tpu.vector_load %arg11[%swap3A_447, %swap3A_448, %swap3A_449] {strides = array<i32>} : memref<3x64x256xf32, #tpu.memory_space<vmem>>, vector<1x1x16xf32>,
        %swap3A_451 = vector.shape_cast %swap3A_450 : vector<1x1x16xf32> to vector<16xf32>
        %swap3A_452 = vector.shape_cast %get3A_446 : vector<16xf32> to vector<1x1x16xf32>
        tpu.vector_store %arg11[%swap3A_447, %swap3A_448, %swap3A_449], %swap3A_452 {add = true, strides = array<i32>} : memref<3x64x256xf32, #tpu.memory_space<vmem>>, vector<1x1x16xf32>,
        %get3A_453 = arith.index_cast %rem3A_129 : i32 to index
        %get3A_454 = arith.index_cast %add3A_375 : i32 to index
        %get3A_455 = arith.constant 112 : index
        %get3A_456 = tpu.vector_load %arg10[%get3A_453, %get3A_454, %get3A_455] {strides = array<i32>} : memref<3x64x256xf32, #tpu.memory_space<vmem>>, vector<1x1x16xf32>,
        %get3A_457 = vector.shape_cast %get3A_456 : vector<1x1x16xf32> to vector<16xf32>
        %swap3A_458 = arith.index_cast %rem3A_129 : i32 to index
        %swap3A_459 = arith.index_cast %add3A_375 : i32 to index
        %swap3A_460 = arith.constant 112 : index
        %swap3A_461 = tpu.vector_load %arg11[%swap3A_458, %swap3A_459, %swap3A_460] {strides = array<i32>} : memref<3x64x256xf32, #tpu.memory_space<vmem>>, vector<1x1x16xf32>,
        %swap3A_462 = vector.shape_cast %swap3A_461 : vector<1x1x16xf32> to vector<16xf32>
        %swap3A_463 = vector.shape_cast %get3A_457 : vector<16xf32> to vector<1x1x16xf32>
        tpu.vector_store %arg11[%swap3A_458, %swap3A_459, %swap3A_460], %swap3A_463 {add = true, strides = array<i32>} : memref<3x64x256xf32, #tpu.memory_space<vmem>>, vector<1x1x16xf32>,
        %get3A_464 = arith.index_cast %rem3A_129 : i32 to index
        %get3A_465 = arith.index_cast %add3A_375 : i32 to index
        %get3A_466 = arith.constant 128 : index
        %get3A_467 = tpu.vector_load %arg10[%get3A_464, %get3A_465, %get3A_466] {strides = array<i32>} : memref<3x64x256xf32, #tpu.memory_space<vmem>>, vector<1x1x16xf32>,
        %get3A_468 = vector.shape_cast %get3A_467 : vector<1x1x16xf32> to vector<16xf32>
        %swap3A_469 = arith.index_cast %rem3A_129 : i32 to index
        %swap3A_470 = arith.index_cast %add3A_375 : i32 to index
        %swap3A_471 = arith.constant 128 : index
        %swap3A_472 = tpu.vector_load %arg11[%swap3A_469, %swap3A_470, %swap3A_471] {strides = array<i32>} : memref<3x64x256xf32, #tpu.memory_space<vmem>>, vector<1x1x16xf32>,
        %swap3A_473 = vector.shape_cast %swap3A_472 : vector<1x1x16xf32> to vector<16xf32>
        %swap3A_474 = vector.shape_cast %get3A_468 : vector<16xf32> to vector<1x1x16xf32>
        tpu.vector_store %arg11[%swap3A_469, %swap3A_470, %swap3A_471], %swap3A_474 {add = true, strides = array<i32>} : memref<3x64x256xf32, #tpu.memory_space<vmem>>, vector<1x1x16xf32>,
        %get3A_475 = arith.index_cast %rem3A_129 : i32 to index
        %get3A_476 = arith.index_cast %add3A_375 : i32 to index
        %get3A_477 = arith.constant 144 : index
        %get3A_478 = tpu.vector_load %arg10[%get3A_475, %get3A_476, %get3A_477] {strides = array<i32>} : memref<3x64x256xf32, #tpu.memory_space<vmem>>, vector<1x1x16xf32>,
        %get3A_479 = vector.shape_cast %get3A_478 : vector<1x1x16xf32> to vector<16xf32>
        %swap3A_480 = arith.index_cast %rem3A_129 : i32 to index
        %swap3A_481 = arith.index_cast %add3A_375 : i32 to index
        %swap3A_482 = arith.constant 144 : index
        %swap3A_483 = tpu.vector_load %arg11[%swap3A_480, %swap3A_481, %swap3A_482] {strides = array<i32>} : memref<3x64x256xf32, #tpu.memory_space<vmem>>, vector<1x1x16xf32>,
        %swap3A_484 = vector.shape_cast %swap3A_483 : vector<1x1x16xf32> to vector<16xf32>
        %swap3A_485 = vector.shape_cast %get3A_479 : vector<16xf32> to vector<1x1x16xf32>
        tpu.vector_store %arg11[%swap3A_480, %swap3A_481, %swap3A_482], %swap3A_485 {add = true, strides = array<i32>} : memref<3x64x256xf32, #tpu.memory_space<vmem>>, vector<1x1x16xf32>,
        %get3A_486 = arith.index_cast %rem3A_129 : i32 to index
        %get3A_487 = arith.index_cast %add3A_375 : i32 to index
        %get3A_488 = arith.constant 160 : index
        %get3A_489 = tpu.vector_load %arg10[%get3A_486, %get3A_487, %get3A_488] {strides = array<i32>} : memref<3x64x256xf32, #tpu.memory_space<vmem>>, vector<1x1x16xf32>,
        %get3A_490 = vector.shape_cast %get3A_489 : vector<1x1x16xf32> to vector<16xf32>
        %swap3A_491 = arith.index_cast %rem3A_129 : i32 to index
        %swap3A_492 = arith.index_cast %add3A_375 : i32 to index
        %swap3A_493 = arith.constant 160 : index
        %swap3A_494 = tpu.vector_load %arg11[%swap3A_491, %swap3A_492, %swap3A_493] {strides = array<i32>} : memref<3x64x256xf32, #tpu.memory_space<vmem>>, vector<1x1x16xf32>,
        %swap3A_495 = vector.shape_cast %swap3A_494 : vector<1x1x16xf32> to vector<16xf32>
        %swap3A_496 = vector.shape_cast %get3A_490 : vector<16xf32> to vector<1x1x16xf32>
        tpu.vector_store %arg11[%swap3A_491, %swap3A_492, %swap3A_493], %swap3A_496 {add = true, strides = array<i32>} : memref<3x64x256xf32, #tpu.memory_space<vmem>>, vector<1x1x16xf32>,
        %get3A_497 = arith.index_cast %rem3A_129 : i32 to index
        %get3A_498 = arith.index_cast %add3A_375 : i32 to index
        %get3A_499 = arith.constant 176 : index
        %get3A_500 = tpu.vector_load %arg10[%get3A_497, %get3A_498, %get3A_499] {strides = array<i32>} : memref<3x64x256xf32, #tpu.memory_space<vmem>>, vector<1x1x16xf32>,
        %get3A_501 = vector.shape_cast %get3A_500 : vector<1x1x16xf32> to vector<16xf32>
        %swap3A_502 = arith.index_cast %rem3A_129 : i32 to index
        %swap3A_503 = arith.index_cast %add3A_375 : i32 to index
        %swap3A_504 = arith.constant 176 : index
        %swap3A_505 = tpu.vector_load %arg11[%swap3A_502, %swap3A_503, %swap3A_504] {strides = array<i32>} : memref<3x64x256xf32, #tpu.memory_space<vmem>>, vector<1x1x16xf32>,
        %swap3A_506 = vector.shape_cast %swap3A_505 : vector<1x1x16xf32> to vector<16xf32>
        %swap3A_507 = vector.shape_cast %get3A_501 : vector<16xf32> to vector<1x1x16xf32>
        tpu.vector_store %arg11[%swap3A_502, %swap3A_503, %swap3A_504], %swap3A_507 {add = true, strides = array<i32>} : memref<3x64x256xf32, #tpu.memory_space<vmem>>, vector<1x1x16xf32>,
        %get3A_508 = arith.index_cast %rem3A_129 : i32 to index
        %get3A_509 = arith.index_cast %add3A_375 : i32 to index
        %get3A_510 = arith.constant 192 : index
        %get3A_511 = tpu.vector_load %arg10[%get3A_508, %get3A_509, %get3A_510] {strides = array<i32>} : memref<3x64x256xf32, #tpu.memory_space<vmem>>, vector<1x1x16xf32>,
        %get3A_512 = vector.shape_cast %get3A_511 : vector<1x1x16xf32> to vector<16xf32>
        %swap3A_513 = arith.index_cast %rem3A_129 : i32 to index
        %swap3A_514 = arith.index_cast %add3A_375 : i32 to index
        %swap3A_515 = arith.constant 192 : index
        %swap3A_516 = tpu.vector_load %arg11[%swap3A_513, %swap3A_514, %swap3A_515] {strides = array<i32>} : memref<3x64x256xf32, #tpu.memory_space<vmem>>, vector<1x1x16xf32>,
        %swap3A_517 = vector.shape_cast %swap3A_516 : vector<1x1x16xf32> to vector<16xf32>
        %swap3A_518 = vector.shape_cast %get3A_512 : vector<16xf32> to vector<1x1x16xf32>
        tpu.vector_store %arg11[%swap3A_513, %swap3A_514, %swap3A_515], %swap3A_518 {add = true, strides = array<i32>} : memref<3x64x256xf32, #tpu.memory_space<vmem>>, vector<1x1x16xf32>,
        %get3A_519 = arith.index_cast %rem3A_129 : i32 to index
        %get3A_520 = arith.index_cast %add3A_375 : i32 to index
        %get3A_521 = arith.constant 208 : index
        %get3A_522 = tpu.vector_load %arg10[%get3A_519, %get3A_520, %get3A_521] {strides = array<i32>} : memref<3x64x256xf32, #tpu.memory_space<vmem>>, vector<1x1x16xf32>,
        %get3A_523 = vector.shape_cast %get3A_522 : vector<1x1x16xf32> to vector<16xf32>
        %swap3A_524 = arith.index_cast %rem3A_129 : i32 to index
        %swap3A_525 = arith.index_cast %add3A_375 : i32 to index
        %swap3A_526 = arith.constant 208 : index
        %swap3A_527 = tpu.vector_load %arg11[%swap3A_524, %swap3A_525, %swap3A_526] {strides = array<i32>} : memref<3x64x256xf32, #tpu.memory_space<vmem>>, vector<1x1x16xf32>,
        %swap3A_528 = vector.shape_cast %swap3A_527 : vector<1x1x16xf32> to vector<16xf32>
        %swap3A_529 = vector.shape_cast %get3A_523 : vector<16xf32> to vector<1x1x16xf32>
        tpu.vector_store %arg11[%swap3A_524, %swap3A_525, %swap3A_526], %swap3A_529 {add = true, strides = array<i32>} : memref<3x64x256xf32, #tpu.memory_space<vmem>>, vector<1x1x16xf32>,
        %get3A_530 = arith.index_cast %rem3A_129 : i32 to index
        %get3A_531 = arith.index_cast %add3A_375 : i32 to index
        %get3A_532 = arith.constant 224 : index
        %get3A_533 = tpu.vector_load %arg10[%get3A_530, %get3A_531, %get3A_532] {strides = array<i32>} : memref<3x64x256xf32, #tpu.memory_space<vmem>>, vector<1x1x16xf32>,
        %get3A_534 = vector.shape_cast %get3A_533 : vector<1x1x16xf32> to vector<16xf32>
        %swap3A_535 = arith.index_cast %rem3A_129 : i32 to index
        %swap3A_536 = arith.index_cast %add3A_375 : i32 to index
        %swap3A_537 = arith.constant 224 : index
        %swap3A_538 = tpu.vector_load %arg11[%swap3A_535, %swap3A_536, %swap3A_537] {strides = array<i32>} : memref<3x64x256xf32, #tpu.memory_space<vmem>>, vector<1x1x16xf32>,
        %swap3A_539 = vector.shape_cast %swap3A_538 : vector<1x1x16xf32> to vector<16xf32>
        %swap3A_540 = vector.shape_cast %get3A_534 : vector<16xf32> to vector<1x1x16xf32>
        tpu.vector_store %arg11[%swap3A_535, %swap3A_536, %swap3A_537], %swap3A_540 {add = true, strides = array<i32>} : memref<3x64x256xf32, #tpu.memory_space<vmem>>, vector<1x1x16xf32>,
        %get3A_541 = arith.index_cast %rem3A_129 : i32 to index
        %get3A_542 = arith.index_cast %add3A_375 : i32 to index
        %get3A_543 = arith.constant 240 : index
        %get3A_544 = tpu.vector_load %arg10[%get3A_541, %get3A_542, %get3A_543] {strides = array<i32>} : memref<3x64x256xf32, #tpu.memory_space<vmem>>, vector<1x1x16xf32>,
        %get3A_545 = vector.shape_cast %get3A_544 : vector<1x1x16xf32> to vector<16xf32>
        %swap3A_546 = arith.index_cast %rem3A_129 : i32 to index
        %swap3A_547 = arith.index_cast %add3A_375 : i32 to index
        %swap3A_548 = arith.constant 240 : index
        %swap3A_549 = tpu.vector_load %arg11[%swap3A_546, %swap3A_547, %swap3A_548] {strides = array<i32>} : memref<3x64x256xf32, #tpu.memory_space<vmem>>, vector<1x1x16xf32>,
        %swap3A_550 = vector.shape_cast %swap3A_549 : vector<1x1x16xf32> to vector<16xf32>
        %swap3A_551 = vector.shape_cast %get3A_545 : vector<16xf32> to vector<1x1x16xf32>
        tpu.vector_store %arg11[%swap3A_546, %swap3A_547, %swap3A_548], %swap3A_551 {add = true, strides = array<i32>} : memref<3x64x256xf32, #tpu.memory_space<vmem>>, vector<1x1x16xf32>,
      }
      %scan3A_175 = arith.constant 32 : i32
      %mul3A_176 = arith.constant 64 : i32
      %mul3A_177 = arith.muli %scan3A_128, %mul3A_176 : i32
      %add3A_178 = arith.addi %mul3A_2, %mul3A_177 : i32
      %dma_start3A_179 = arith.constant 0 : i32
      %dma_start3A_180 = arith.constant 0 : i32
      %dma_start3A_181 = tpu.memref_slice %arg11[%rem3A_129, %dma_start3A_179, %dma_start3A_180] : memref<3x64x256xf32, #tpu.memory_space<vmem>> -> memref<1x64x256xf32, #tpu.memory_space<vmem>>
      %dma_start3A_182 = tpu.memref_squeeze %dma_start3A_181 : memref<1x64x256xf32, #tpu.memory_space<vmem>> -> memref<64x256xf32, #tpu.memory_space<vmem>>
      %dma_start3A_183 = arith.constant 0 : i32
      %dma_start3A_184 = tpu.memref_slice %arg6[%add3A_178, %dma_start3A_183] : memref<262144x256xf32, #tpu.memory_space<hbm>> -> memref<64x256xf32, #tpu.memory_space<hbm>>
      %dma_start3A_185 = tpu.memref_slice %arg14[%rem3A_129] : memref<3x!tpu.dma_semaphore, #tpu.memory_space<semaphore_mem>> -> memref<1x!tpu.dma_semaphore, #tpu.memory_space<semaphore_mem>>
      %dma_start3A_186 = tpu.memref_squeeze %dma_start3A_185 : memref<1x!tpu.dma_semaphore, #tpu.memory_space<semaphore_mem>> -> memref<!tpu.dma_semaphore, #tpu.memory_space<semaphore_mem>>
      %dma_start3A_187 = arith.constant 0 : i32
      %dma_start3A_188 = tpu.memref_slice %arg6[%add3A_178, %dma_start3A_187] : memref<262144x256xf32, #tpu.memory_space<hbm>> -> memref<64x256xf32, #tpu.memory_space<hbm>>
      %dma_start3A_189 = arith.constant 0 : i32
      %dma_start3A_190 = arith.constant 0 : i32
      %dma_start3A_191 = tpu.memref_slice %arg11[%rem3A_129, %dma_start3A_189, %dma_start3A_190] : memref<3x64x256xf32, #tpu.memory_space<vmem>> -> memref<1x64x256xf32, #tpu.memory_space<vmem>>
      %dma_start3A_192 = tpu.memref_squeeze %dma_start3A_191 : memref<1x64x256xf32, #tpu.memory_space<vmem>> -> memref<64x256xf32, #tpu.memory_space<vmem>>
      tpu.enqueue_dma source(%dma_start3A_192 : memref<64x256xf32, #tpu.memory_space<vmem>>) target(%dma_start3A_188 : memref<64x256xf32, #tpu.memory_space<hbm>>) target_semaphore(%dma_start3A_186 : memref<!tpu.dma_semaphore, #tpu.memory_space<semaphore_mem>>)
    }
    %scan3A_74 = arith.constant 128 : i32
    %dma_wait3A = arith.constant 0 : i32
    %dma_wait3A_75 = arith.constant 0 : i32
    %dma_wait3A_76 = arith.constant 0 : i32
    %dma_wait3A_77 = arith.constant 0 : i32
    %dma_wait3A_78 = tpu.memref_slice %arg11[%dma_wait3A, %dma_wait3A_76, %dma_wait3A_77] : memref<3x64x256xf32, #tpu.memory_space<vmem>> -> memref<1x64x256xf32, #tpu.memory_space<vmem>>
    %dma_wait3A_79 = tpu.memref_squeeze %dma_wait3A_78 : memref<1x64x256xf32, #tpu.memory_space<vmem>> -> memref<64x256xf32, #tpu.memory_space<vmem>>
    %dma_wait3A_80 = arith.constant 0 : i32
    %dma_wait3A_81 = arith.constant 0 : i32
    %dma_wait3A_82 = tpu.memref_slice %arg6[%dma_wait3A_80, %dma_wait3A_81] : memref<262144x256xf32, #tpu.memory_space<hbm>> -> memref<64x256xf32, #tpu.memory_space<hbm>>
    %dma_wait3A_83 = tpu.memref_slice %arg14[%dma_wait3A_75] : memref<3x!tpu.dma_semaphore, #tpu.memory_space<semaphore_mem>> -> memref<1x!tpu.dma_semaphore, #tpu.memory_space<semaphore_mem>>
    %dma_wait3A_84 = tpu.memref_squeeze %dma_wait3A_83 : memref<1x!tpu.dma_semaphore, #tpu.memory_space<semaphore_mem>> -> memref<!tpu.dma_semaphore, #tpu.memory_space<semaphore_mem>>
    %dma_wait3A_85 = arith.constant 0 : i32
    %dma_wait3A_86 = arith.constant 0 : i32
    %dma_wait3A_87 = tpu.memref_slice %arg6[%dma_wait3A_85, %dma_wait3A_86] : memref<262144x256xf32, #tpu.memory_space<hbm>> -> memref<64x256xf32, #tpu.memory_space<hbm>>
    %dma_wait3A_88 = arith.constant 0 : i32
    %dma_wait3A_89 = arith.constant 0 : i32
    %dma_wait3A_90 = tpu.memref_slice %arg11[%dma_wait3A, %dma_wait3A_88, %dma_wait3A_89] : memref<3x64x256xf32, #tpu.memory_space<vmem>> -> memref<1x64x256xf32, #tpu.memory_space<vmem>>
    %dma_wait3A_91 = tpu.memref_squeeze %dma_wait3A_90 : memref<1x64x256xf32, #tpu.memory_space<vmem>> -> memref<64x256xf32, #tpu.memory_space<vmem>>
    tpu.wait_dma2 semaphore(%dma_wait3A_84 : memref<!tpu.dma_semaphore, #tpu.memory_space<semaphore_mem>>) src(%dma_wait3A_91 : memref<64x256xf32, #tpu.memory_space<vmem>>) dst(%dma_wait3A_87 : memref<64x256xf32, #tpu.memory_space<hbm>>)
    %dma_wait3A_92 = arith.constant 1 : i32
    %dma_wait3A_93 = arith.constant 1 : i32
    %dma_wait3A_94 = arith.constant 0 : i32
    %dma_wait3A_95 = arith.constant 0 : i32
    %dma_wait3A_96 = tpu.memref_slice %arg11[%dma_wait3A_92, %dma_wait3A_94, %dma_wait3A_95] : memref<3x64x256xf32, #tpu.memory_space<vmem>> -> memref<1x64x256xf32, #tpu.memory_space<vmem>>
    %dma_wait3A_97 = tpu.memref_squeeze %dma_wait3A_96 : memref<1x64x256xf32, #tpu.memory_space<vmem>> -> memref<64x256xf32, #tpu.memory_space<vmem>>
    %dma_wait3A_98 = arith.constant 0 : i32
    %dma_wait3A_99 = arith.constant 0 : i32
    %dma_wait3A_100 = tpu.memref_slice %arg6[%dma_wait3A_98, %dma_wait3A_99] : memref<262144x256xf32, #tpu.memory_space<hbm>> -> memref<64x256xf32, #tpu.memory_space<hbm>>
    %dma_wait3A_101 = tpu.memref_slice %arg14[%dma_wait3A_93] : memref<3x!tpu.dma_semaphore, #tpu.memory_space<semaphore_mem>> -> memref<1x!tpu.dma_semaphore, #tpu.memory_space<semaphore_mem>>
    %dma_wait3A_102 = tpu.memref_squeeze %dma_wait3A_101 : memref<1x!tpu.dma_semaphore, #tpu.memory_space<semaphore_mem>> -> memref<!tpu.dma_semaphore, #tpu.memory_space<semaphore_mem>>
    %dma_wait3A_103 = arith.constant 0 : i32
    %dma_wait3A_104 = arith.constant 0 : i32
    %dma_wait3A_105 = tpu.memref_slice %arg6[%dma_wait3A_103, %dma_wait3A_104] : memref<262144x256xf32, #tpu.memory_space<hbm>> -> memref<64x256xf32, #tpu.memory_space<hbm>>
    %dma_wait3A_106 = arith.constant 0 : i32
    %dma_wait3A_107 = arith.constant 0 : i32
    %dma_wait3A_108 = tpu.memref_slice %arg11[%dma_wait3A_92, %dma_wait3A_106, %dma_wait3A_107] : memref<3x64x256xf32, #tpu.memory_space<vmem>> -> memref<1x64x256xf32, #tpu.memory_space<vmem>>
    %dma_wait3A_109 = tpu.memref_squeeze %dma_wait3A_108 : memref<1x64x256xf32, #tpu.memory_space<vmem>> -> memref<64x256xf32, #tpu.memory_space<vmem>>
    tpu.wait_dma2 semaphore(%dma_wait3A_102 : memref<!tpu.dma_semaphore, #tpu.memory_space<semaphore_mem>>) src(%dma_wait3A_109 : memref<64x256xf32, #tpu.memory_space<vmem>>) dst(%dma_wait3A_105 : memref<64x256xf32, #tpu.memory_space<hbm>>)
    %dma_wait3A_110 = arith.constant 2 : i32
    %dma_wait3A_111 = arith.constant 2 : i32
    %dma_wait3A_112 = arith.constant 0 : i32
    %dma_wait3A_113 = arith.constant 0 : i32
    %dma_wait3A_114 = tpu.memref_slice %arg11[%dma_wait3A_110, %dma_wait3A_112, %dma_wait3A_113] : memref<3x64x256xf32, #tpu.memory_space<vmem>> -> memref<1x64x256xf32, #tpu.memory_space<vmem>>
    %dma_wait3A_115 = tpu.memref_squeeze %dma_wait3A_114 : memref<1x64x256xf32, #tpu.memory_space<vmem>> -> memref<64x256xf32, #tpu.memory_space<vmem>>
    %dma_wait3A_116 = arith.constant 0 : i32
    %dma_wait3A_117 = arith.constant 0 : i32
    %dma_wait3A_118 = tpu.memref_slice %arg6[%dma_wait3A_116, %dma_wait3A_117] : memref<262144x256xf32, #tpu.memory_space<hbm>> -> memref<64x256xf32, #tpu.memory_space<hbm>>
    %dma_wait3A_119 = tpu.memref_slice %arg14[%dma_wait3A_111] : memref<3x!tpu.dma_semaphore, #tpu.memory_space<semaphore_mem>> -> memref<1x!tpu.dma_semaphore, #tpu.memory_space<semaphore_mem>>
    %dma_wait3A_120 = tpu.memref_squeeze %dma_wait3A_119 : memref<1x!tpu.dma_semaphore, #tpu.memory_space<semaphore_mem>> -> memref<!tpu.dma_semaphore, #tpu.memory_space<semaphore_mem>>
    %dma_wait3A_121 = arith.constant 0 : i32
    %dma_wait3A_122 = arith.constant 0 : i32
    %dma_wait3A_123 = tpu.memref_slice %arg6[%dma_wait3A_121, %dma_wait3A_122] : memref<262144x256xf32, #tpu.memory_space<hbm>> -> memref<64x256xf32, #tpu.memory_space<hbm>>
    %dma_wait3A_124 = arith.constant 0 : i32
    %dma_wait3A_125 = arith.constant 0 : i32
    %dma_wait3A_126 = tpu.memref_slice %arg11[%dma_wait3A_110, %dma_wait3A_124, %dma_wait3A_125] : memref<3x64x256xf32, #tpu.memory_space<vmem>> -> memref<1x64x256xf32, #tpu.memory_space<vmem>>
    %dma_wait3A_127 = tpu.memref_squeeze %dma_wait3A_126 : memref<1x64x256xf32, #tpu.memory_space<vmem>> -> memref<64x256xf32, #tpu.memory_space<vmem>>
    tpu.wait_dma2 semaphore(%dma_wait3A_120 : memref<!tpu.dma_semaphore, #tpu.memory_space<semaphore_mem>>) src(%dma_wait3A_127 : memref<64x256xf32, #tpu.memory_space<vmem>>) dst(%dma_wait3A_123 : memref<64x256xf32, #tpu.memory_space<hbm>>)
    return
  }
}

</mosaic_0001>

<sc_bundles>
// kernel: kernel.3.cloned.1.call-start
scs
__scs_entry_jumppad:
0x0: {  	(pc) =	sbr.rel $0x88, $3  }
0x1: {  	(tag) =	ssettag $0x0;
	lr =	simm.s32 $0x1  }
0x2: {  	[smem:$0x3F9E] =	sst lr;
	_ =	strace $0xD0000000  }
0x3: {  	_ = 	snop  }
0x4: {  	_ = 	snop  }
0x5: {  	_ = 	snop  }
0x6: {  	_ = 	snop  }
0x7: {  	_ = 	snop  }
__scs_overlays_trampoline_lowered:
0x8: {  	[smem:$0x3FAD] =	sst s0  }
0x9: {  	[smem:$0x3FAE] =	sst s1  }
0xa: {  	[smem:$0x3FAF] =	sst s2  }
0xb: {  	[smem:$0x3FB0] =	sst s3  }
0xc: {  	[smem:$0x3FB1] =	sst s4  }
0xd: {  	[smem:$0x3FB2] =	sst s5  }
0xe: {  	[smem:$0x3FB3] =	sst s6  }
0xf: {  	[smem:$0x3FB4] =	sst s7  }
0x10: {  	[smem:$0x3FB5] =	sst s8  }
0x11: {  	[smem:$0x3FB6] =	sst s9;
	s0 =	simm.s32 @!p0 $0x0  }
0x12: {  	s1 =	sld [smem:$0x3F9C];
	s0 =	simm.s32 @p0 $0x1  }
0x13: {  	[smem:$0x3FB7] =	sst s0;
	s0 =	simm.s32 @!p1 $0x0  }
0x14: {  	s2 =	sld [smem:$0x3F9B];
	s0 =	simm.s32 @p1 $0x1  }
0x15: {  	[smem:$0x3FB8] =	sst s0;
	s0 =	simm.s32 @!p2 $0x0  }
0x16: {  	s3 =	sld [smem:$0x3FDB];
	s0 =	simm.s32 @p2 $0x1  }
0x17: {  	s4 =	simm.s32 $0x1BF5;
	[smem:$0x3FBA] =	sst s0  }
0x18: {  	s0 =	sld [smem:$0x3F9D];
	_ =	swait.ge [sflag:s4], $0x0  }
0x19: {  	s7 =	sld [smem:$0x3F9E]  }
0x1a: {  	s8 =	sadd.s32 $0xFFFFE003, lr  }
0x1b: {  	s9 =	sadd.s32 $0xFFFFFEF7, lr;
	s5 =	simm.s32 $0xFFFFFFFF;
	p2 =	slt.u32 s8, $0xFFFFF086  }
0x1c: {  	p1 =	slt.u32 s9, $0xF7A;
	s5 =	simm.s32 @!p2 $0x0  }
0x1d: {  	s5 =	simm.s32 @p1 $0x1;
	p0 =	seq.s32 s7, s2  }
0x1e: {  	s7 =	smul.u32 @!p0 $0xF7A, s2;
	p2 =	seq.s32 @!p0 s5, $0x0  }
0x1f: {  	s9 =	smul.u32 $0xF7A, s1;
	s8 =	simm.s32 @!p0 $0x1BF5;
	p2 =	por !p2, p0  }
0x20: {  	[sflag:s8] =	ssyncset.s32 @!p0 $0xFFFFF086;
	s6 =	sadd.s32 @!p0 s3, s7;
	s7 =	simm.s32 @!p0 $0x108  }
0x21: {  	s3 =	sadd.s32 s3, s9;
	s6 =	sadd.s32 @!p0 $0x88, s6;
	s7 =	simm.s32 @p2 $0x1082  }
0x22: {  	[simem:s7], [sflag:s8] =	dma.local @!p0 [hbm:s6], $0xF7A  }
0x23: {  	s9 =	sor.u32 $0xD0000000, s2;
	s6 =	simm.s32 $0x108;
	_ =	swait.ge @!p0 [sflag:s8], $0x0  }
0x24: {  	s3 =	sadd.s32 $0x88, s3;
	s6 =	simm.s32 @!p1 $0x1082;
	[sflag:s4] =	ssyncset.s32 $0xFFFFF086  }
0x25: {  	[simem:s6], [sflag:s4] =	dma.local [hbm:s3], $0xF7A  }
0x26: {  	[smem:$0x3F9E] =	sst s1;
	(tag) =	ssettag s2;
	_ =	strace s9  }
0x27: {  	s1 =	sld [smem:$0x3FAE]  }
0x28: {  	s2 =	sld [smem:$0x3FAF]  }
0x29: {  	s4 =	sld [smem:$0x3FB1]  }
0x2a: {  	p0 =	seq.s32 s5, $0x0;
	s5 =	sld [smem:$0x3FB2]  }
0x2b: {  	s6 =	sld [smem:$0x3FB3]  }
0x2c: {  	s7 =	sld [smem:$0x3FB4]  }
0x2d: {  	s3 =	simm.s32 $0x108;
	s8 =	sld [smem:$0x3FB5]  }
0x2e: {  	s3 =	simm.s32 @!p0 $0x1082;
	s9 =	sld [smem:$0x3FB6]  }
0x2f: {  	lr =	sadd.s32 s0, s3;
	s0 =	sld [smem:$0x3FAD]  }
0x30: {  	s3 =	sld [smem:$0x3FB0]  }
0x31: {  	[smem:$0x3FB9] =	sst s10  }
0x32: {  	s10 =	sld [smem:$0x3FB7];
	_ =	sdelay $0x3  }
0x33: {  	p0 =	seq.s32 s10, $0x1;
	s10 =	sld [smem:$0x3FB9];
	_ =	sdelay $0x3  }
0x34: {  	[smem:$0x3FB9] =	sst s10  }
0x35: {  	s10 =	sld [smem:$0x3FB8];
	_ =	sdelay $0x3  }
0x36: {  	p1 =	seq.s32 s10, $0x1;
	s10 =	sld [smem:$0x3FB9];
	_ =	sdelay $0x3  }
0x37: {  	[smem:$0x3FB9] =	sst s10  }
0x38: {  	s10 =	sld [smem:$0x3FBA]  }
0x39: {  	_ = 	snop;
	(pc) =	sbr.ind lr, $3  }
0x3a: {  	_ = 	snop  }
0x3b: {  	_ = 	snop  }
0x3c: {  	p2 =	seq.s32 s10, $0x1;
	s10 =	sld [smem:$0x3FB9]  }
0x3d: {  	_ =	shalt  }
0x3e: {  	_ =	shalt  }
0x3f: {  	_ =	shalt  }
0x40: {  	_ =	shalt  }
0x41: {  	_ =	shalt  }
0x42: {  	_ =	shalt  }
0x43: {  	_ =	shalt  }
0x44: {  	_ =	shalt  }
0x45: {  	_ =	shalt  }
0x46: {  	_ =	shalt  }
0x47: {  	_ =	shalt  }
0x48: {  	_ =	shalt  }
0x49: {  	_ =	shalt  }
0x4a: {  	_ =	shalt  }
0x4b: {  	_ =	shalt  }
0x4c: {  	_ =	shalt  }
0x4d: {  	_ =	shalt  }
0x4e: {  	_ =	shalt  }
0x4f: {  	_ =	shalt  }
0x50: {  	_ =	shalt  }
0x51: {  	_ =	shalt  }
0x52: {  	_ =	shalt  }
0x53: {  	_ =	shalt  }
0x54: {  	_ =	shalt  }
0x55: {  	_ =	shalt  }
0x56: {  	_ =	shalt  }
0x57: {  	_ =	shalt  }
0x58: {  	_ =	shalt  }
0x59: {  	_ =	shalt  }
0x5a: {  	_ =	shalt  }
0x5b: {  	_ =	shalt  }
0x5c: {  	_ =	shalt  }
0x5d: {  	_ =	shalt  }
0x5e: {  	_ =	shalt  }
0x5f: {  	_ =	shalt  }
0x60: {  	_ =	shalt  }
0x61: {  	_ =	shalt  }
0x62: {  	_ =	shalt  }
0x63: {  	_ =	shalt  }
0x64: {  	_ =	shalt  }
0x65: {  	_ =	shalt  }
0x66: {  	_ =	shalt  }
0x67: {  	_ =	shalt  }
0x68: {  	_ =	shalt  }
0x69: {  	_ =	shalt  }
0x6a: {  	_ =	shalt  }
0x6b: {  	_ =	shalt  }
0x6c: {  	_ =	shalt  }
0x6d: {  	_ =	shalt  }
0x6e: {  	_ =	shalt  }
0x6f: {  	_ =	shalt  }
0x70: {  	_ =	shalt  }
0x71: {  	_ =	shalt  }
0x72: {  	_ =	shalt  }
0x73: {  	_ =	shalt  }
0x74: {  	_ =	shalt  }
0x75: {  	_ =	shalt  }
0x76: {  	_ =	shalt  }
0x77: {  	_ =	shalt  }
0x78: {  	_ =	shalt  }
0x79: {  	_ =	shalt  }
0x7a: {  	_ =	shalt  }
0x7b: {  	_ =	shalt  }
0x7c: {  	_ =	shalt  }
0x7d: {  	_ =	shalt  }
0x7e: {  	_ =	shalt  }
0x7f: {  	_ =	shalt  }
0x80: {  	_ =	shalt  }
0x81: {  	_ =	shalt  }
0x82: {  	_ =	shalt  }
0x83: {  	_ =	shalt  }
0x84: {  	_ =	shalt  }
0x85: {  	_ =	shalt  }
0x86: {  	_ =	shalt  }
0x87: {  	_ =	shalt  }
.Lfunc_end0:
.L_simem_size_0:
called_computation_lowered:
.L_overlay_start_0:
0x88: {  	s2 =	sld [smem:$0x3FD9]  }
0x89: {  	s3 =	sld [smem:$0x3FFE];
	_ =	sdelay $0x1  }
0x8a: {  	s1 =	srdreg.scid  }
0x8b: {  	s0 =	sand.u32 $0x1, s1  }
0x8c: {  	s17 =	sshll.u32 s0, $0xA;
	s2 =	sadd.s32 s3, s2  }
0x8d: {  	s2 =	sadd.s32 s2, s17  }
0x8e: {  	[smem:$0x3FC5] =	sst s2  }
0x8f: {  	_ = 	snop  }
0x90: {  	s2 =	sld [smem:$0x3FC9]  }
0x91: {  	s18 =	sld [smem:$0x3FC7]  }
0x92: {  	s4 =	sld [smem:$0x3FD0];
	(tm) =	ssettm $0x1  }
0x93: {  	s5 =	sld [smem:$0x3FFB];
	_ =	sdelay $0x3  }
0x94: {  	_ =	strace s5  }
0x95: {  	s5 =	sld [smem:$0x3FFC];
	_ =	sdelay $0x3  }
0x96: {  	_ =	strace s5  }
0x97: {  	s5 =	sld [smem:$0x3FFD];
	_ =	sdelay $0x3  }
0x98: {  	_ =	strace s5  }
0x99: {  	_ =	strace $0x8FFFFFFF  }
0x9a: {  	s19 =	sld [smem:$0x3FDB];
	_ =	sdelay $0x1  }
0x9b: {  	s6 =	simm.s32 $_scs_section_size  }
0x9c: {  	s7 =	simm.s32 $_size__tile_overlayer_lowered;
	s8 =	simm.s32 $_tile_overlayer_lowered  }
0x9d: {  	s22 =	simm.s32 $0x1BFF;
	s21 =	sshll.u32 s8, $0x1;
	s5 =	sadd.s32 s6, s19  }
0x9e: {  	s9 =	simm.s32 $0x0;
	s20 =	sshll.u32 s7, $0x1;
	s7 =	sadd.s32 s21, s5  }
0x9f: {  	[timem:s9], [sflag:s22] =	dma.local [hbm:s7], s20  }
0xa0: {  	_ =	swait.ge [sflag:s22], s20  }
0xa1: {  	s6 =	ssub.s32 $0x0, s20;
	[sflag:s22] =	ssyncset.done $0x0  }
0xa2: {  	[sflag:s22] =	ssyncadd.s32 s6;
	_ =	sdelay $0x1  }
0xa3: {  	s23 =	simm.s32 $0x1B8B  }
0xa4: {  	_ =	swait.ge [sflag:s23], $0x1  }
0xa5: {  	[sflag:s23] =	ssyncset.done $0x0  }
0xa6: {  	s25 =	simm.s32 $0x1B8E;
	s24 =	sld [smem:$0x3FFE];
	[sflag:s23] =	ssyncadd.s32 $0xFFFFFFFF  }
0xa7: {  	s26 =	simm.s32 $execute0_lowered;
	[smem:$0x3FD2] =	sst s25  }
0xa8: {  	s7 =	sshll.u32 s26, $0x1;
	_ =	strace $0x80000046;
	[dreg:$0x1] =	wrdreg $0xFFFFFFFF  }
0xa9: {  	s28 =	simm.s32 $_size_execute0_lowered;
	s5 =	sadd.s32 s5, s7;
	[dreg:$0x0] =	wrdreg $0x0  }
0xaa: {  	s7 =	sshll.u32 s28, $0x1;
	[dreg:$0x2] =	wrdreg s5  }
0xab: {  	[dreg:$0x3] =	wrdreg s7  }
0xac: {  	[dreg:$0x4] =	wrdreg $0xC0  }
0xad: {  	_ =	task [dreg:s9], $0x5FFFF  }
0xae: {  	[dreg:$0x1] =	wrdreg $0xFFFFFFFF  }
0xaf: {  	[dreg:$0x0] =	wrdreg $0x60  }
0xb0: {  	[dreg:$0x2] =	wrdreg s24  }
0xb1: {  	[dreg:$0x3] =	wrdreg s2  }
0xb2: {  	[dreg:$0x4] =	wrdreg s18  }
0xb3: {  	[dreg:$0x5] =	wrdreg s4  }
0xb4: {  	[dreg:$0x6] =	wrdreg $0x9  }
0xb5: {  	_ =	task.clear_ibuf [dreg:s9], $0x7FFFF;
	_ =	strace $0x90000046  }
0xb6: {  	s29 =	simm.s32 $0x9;
	_ =	strace $0x80000048  }
0xb7: {  	_ =	swait.ge [sflag:s29], $0x1  }
0xb8: {  	[sflag:s29] =	ssyncadd.s32 $0xFFFFFFFF  }
0xb9: {  	_ =	strace $0x90000048  }
0xba: {  	_ =	sfence  }
0xbb: {  	s30 =	sld [smem:$0x0];
	_ =	sdelay $0x2  }
0xbc: {  	s31 =	sshll.u32 s1, $0xD;
	s1 =	sshrl.u32 s1, $0x2  }
0xbd: {  	s3 =	sand.u32 $0x4000, s31;
	s1 =	sadd.s32 s1, s30  }
0xbe: {  	s0 =	sor.u32 s3, s0;
	s1 =	sshll.u32 s1, $0x11  }
0xbf: {  	s0 =	sor.u32 s1, s0  }
0xc0: {  	s0 =	sadd.s32 $0x8F2B, s0  }
0xc1: {  	[sflag:s0] =	ssyncadd.remote.s32 $0x1  }
0xc2: {  	_ =	sfence.sel $0xFFFF  }
0xc3: {  	[dreg:$0x0] =	wrdreg $0xFFFFFFFF;
	(pc) =	sbr.abs _section_cstart, $3  }
0xc4: {  	[dreg:$0x1] =	wrdreg $0xFFFFFFFF  }
0xc5: {  	_ =	task.clear_ibuf [dreg:s9], $0x2FFFF;
	_ =	strace $0x9FFFFFFF  }
0xc6: {  	(tm) =	ssettm $0x7FFFFFFF  }
0xc7: {  	_ =	shalt  }
tec
execute0_lowered:
.L_overlay_start_1:
0x0: {  	(tag) =	ssettag $0x1  }
0x1: {  	s0 =	rddreg [dreg:$0x0]  }
0x2: {  	s1 =	rddreg [dreg:$0x1]  }
0x3: {  	s3 =	rddreg [dreg:$0x2]  }
0x4: {  	s2 =	rddreg [dreg:$0x3];
	s4 =	srdreg.scid  }
0x5: {  	s5 =	stileid.u32;
	s12 =	simm.s32 $0xA;
	s24 =	simm.s32 $0xA800  }
0x6: {  	s25 =	simm.s32 $0xB000;
	s26 =	simm.s32 $0xB800;
	s28 =	simm.s32 $0xC000  }
0x7: {  	s29 =	simm.s32 $0xC800;
	s30 =	simm.s32 $0xD000;
	s31 =	simm.s32 $0xD800  }
0x8: {  	s13 =	simm.s32 $0x8;
	s14 =	simm.s32 $0x9;
	s15 =	simm.s32 $0x0  }
0x9: {  	s6 =	sand.u32 $0x1, s4;
	s4 =	simm.s32 $0x0;
	s5 =	sshll.u32 s5, $0xE  }
0xa: {  	s7 =	sshll.u32 s6, $0xD;
	[smem:$0x7FF] =	sst s4;
	s6 =	ssub.s32 $0x2, s6  }
0xb: {  	s5 =	sor.u32 s7, s5;
	_ =	strace $0x80000047;
	s8 =	sshrl.u32 s6, $0x1  }
0xc: {  	s7 =	sshrl.u32 s5, $0x3;
	s11 =	ssub.s32 s6, s8;
	s10 =	sshll.u32 s5, $0x5  }
0xd: {  	v2 =	vlaneseq.u32;
	s0 =	sadd.s32 s7, s0;
	s8 =	sadd.s32 s1, s10;
	s10 =	sadd.s32 s2, s10  }
0xe: {  	vm0 =	vmmov $0xffff;
	v1 =	vshrl.u32 v2, $0x3;
	s11 =	smax.u32 s11, $0x1;
	s2 =	simm.s32 $0x7;
	s6 =	sadd.s32 $0x8600, s0  }
0xf: {  	v0 =	vand.u32 $0x7, v2;
	v2 =	vor.u32 $0x8, v2;
	v1 =	vmul.u32 $0x8, v1;
	s7 =	sadd.s32 $0x600, s0;
	s9 =	sadd.s32 $0x800, s8;
	s0 =	simm.s32 $0x16000  }
.LBB2_1:
0x10: {  	[tilespmem:s4], [sflag:$0xA] =	stream.linear.gather [hbm4b:s6+s4], $0x2000, $0x38;
	[tilespmem:$0x1E000] =	vst v63  }
0x11: {  	_ =	swait.ge [sflag:s12], $0x2000  }
0x12: {  	[sflag:s12] =	ssyncset.done $0x0  }
0x13: {  	s16 =	simm.s32 $0x2000;
	[sflag:s12] =	ssyncadd.s32 $0xFFFFE000  }
0x14: {  	[tilespmem:s16], [sflag:$0xA] =	stream.linear.gather [hbm4b:s7+s4], $0x2000, $0x38;
	[tilespmem:$0x1E000] =	vst v63  }
0x15: {  	_ =	swait.ge [sflag:s12], $0x2000  }
0x16: {  	[sflag:s12] =	ssyncset.done $0x0  }
0x17: {  	s16 =	simm.s32 $0x0;
	[sflag:s12] =	ssyncadd.s32 $0xFFFFE000  }
0x18: {  	v3 =	vld [tilespmem:s16+$0x2000];
	_ =	sdelay $0x3  }
0x19: {  	v4 =	vld [tilespmem:s16+$0x0]  }
0x1a: {  	v3 =	vmul.f32 $2.240000000e+02, v3;
	_ =	sdelay $0x1  }
0x1b: {  	s17 =	simm.s32 $0x10;
	v3 =	vtrunc.f32 v3  }
0x1c: {  	v6 =	vcvt.f32.s32 v3;
	v3 =	vld [tilespmem:s17+$0x2000]  }
0x1d: {  	v5 =	vld [tilespmem:s17+$0x0];
	v4 =	vmul.f32 $2.240000000e+02, v4;
	_ =	sdelay $0x1  }
0x1e: {  	v4 =	vtrunc.f32 v4  }
0x1f: {  	s18 =	simm.s32 $0x80;
	v4 =	vcvt.f32.s32 v4;
	vm1 =	vgt.s32 v6, $0x0  }
.LBB2_2:
0x20: {  	s19 =	sshra.s32 s18, $0x2;
	p0 =	sne.s32 s18, $0x7FC0;
	s18 =	sadd.s32 $0x40, s18;
	v7 =	vmul.f32 $2.240000000e+02, v3;
	v6 =	vnsel vm1, $0x0, v6  }
.Ltmp0:
0x21: {  	v3 =	vld [tilespmem:s19+$0x2000];
	v8 =	vmul.f32 $2.240000000e+02, v5;
	vm1 =	vgt.s32 v4, $0x0;
	v6 =	vmin.u32 v6, $0xDF;
	(pc) =	sbr.rel @p0 .LBB2_2-.Ltmp0, $4  }
0x22: {  	v5 =	vld [tilespmem:s19+$0x0];
	v7 =	vtrunc.f32 v7;
	v4 =	vnsel vm1, $0x0, v4;
	v9 =	vmul.u32 $0xE0, v6  }
0x23: {  	v6 =	vcvt.f32.s32 v7;
	v4 =	vmin.u32 v4, $0xDF  }
0x24: {  	v7 =	vtrunc.f32 v8;
	v8 =	vadd.s32 v4, v9  }
0x25: {  	v4 =	vcvt.f32.s32 v7;
	vm1 =	vgt.s32 v6, $0x0;
	[tilespmem:s16+$0x4000] =	vst v8;
	s16 =	smov.u32 s17;
	s17 =	smov.u32 s19  }
0x26: {  	v3 =	vmul.f32 $2.240000000e+02, v3;
	_ =	sdelay $0x1  }
0x27: {  	v5 =	vmul.f32 $2.240000000e+02, v5;
	v3 =	vtrunc.f32 v3  }
0x28: {  	v3 =	vcvt.f32.s32 v3  }
0x29: {  	v6 =	vnsel vm1, $0x0, v6;
	v5 =	vtrunc.f32 v5  }
0x2a: {  	vm1 =	vgt.s32 v4, $0x0;
	v5 =	vcvt.f32.s32 v5;
	vm2 =	vgt.s32 v3, $0x0  }
0x2b: {  	v6 =	vmin.u32 v6, $0xDF;
	v4 =	vnsel vm1, $0x0, v4;
	v3 =	vnsel vm2, $0x0, v3  }
0x2c: {  	v6 =	vmul.u32 $0xE0, v6;
	vm1 =	vgt.s32 v5, $0x0;
	v3 =	vmin.u32 v3, $0xDF  }
0x2d: {  	v4 =	vmin.u32 v4, $0xDF;
	v5 =	vnsel vm1, $0x0, v5;
	v3 =	vmul.u32 $0xE0, v3  }
0x2e: {  	v4 =	vadd.s32 v4, v6;
	v5 =	vmin.u32 v5, $0xDF  }
0x2f: {  	[tilespmem:s16+$0x4000] =	vst v4;
	v3 =	vadd.s32 v5, v3  }
0x30: {  	[tilespmem:s17+$0x4000] =	vst v3  }
0x31: {  	v3 =	vld [tilespmem:$0x4000];
	_ =	sdelay $0x4  }
0x32: {  	v56 =	vshll.u32 v3, $0x1  }
0x33: {  	v3 =	vand.u32 $0x7, v3;
	v4 =	vand.u32 $0xFFFFFFF0, v56  }
0x34: {  	v3 =	vor.u32 v3, v4  }
0x35: {  	v4 =	vperm.xlane v3, v0;
	_ =	sdelay $0x1  }
0x36: {  	v3 =	vperm.xlane v3, v2;
	v4 =	vadd.s32 v1, v4;
	_ =	sdelay $0x1  }
0x37: {  	v3 =	vadd.s32 v1, v3;
	_ =	sdelay $0x1  }
0x38: {  	s20 =	simm.s32 $0x6000;
	s16 =	simm.s32 $0x0  }
0x39: {  	[tilespmem:s20], [sflag:$0x1] =	stream.indirect_vreg.gather [hbm4b:s3+s16], $0x80, v4, vm0, $0xb8;
	[tilespmem:$0x1E000] =	vst v63  }
0x3a: {  	s21 =	simm.s32 $0x6800  }
0x3b: {  	[tilespmem:s21], [sflag:$0x1] =	stream.indirect_vreg.gather [hbm4b:s3+s16], $0x80, v3, vm0, $0xb8;
	[tilespmem:$0x1E000] =	vst v63  }
0x3c: {  	v3 =	vld [tilespmem:$0x4010];
	_ =	sdelay $0x4  }
0x3d: {  	v57 =	vshll.u32 v3, $0x1  }
0x3e: {  	v3 =	vand.u32 $0x7, v3;
	v4 =	vand.u32 $0xFFFFFFF0, v57  }
0x3f: {  	v3 =	vor.u32 v3, v4  }
0x40: {  	v4 =	vperm.xlane v3, v0;
	_ =	sdelay $0x1  }
0x41: {  	v3 =	vperm.xlane v3, v2;
	v4 =	vadd.s32 v1, v4;
	_ =	sdelay $0x1  }
0x42: {  	v3 =	vadd.s32 v1, v3;
	_ =	sdelay $0x1  }
0x43: {  	s22 =	simm.s32 $0x7000  }
0x44: {  	[tilespmem:s22], [sflag:$0x1] =	stream.indirect_vreg.gather [hbm4b:s3+s16], $0x80, v4, vm0, $0xb8;
	[tilespmem:$0x1E000] =	vst v63  }
0x45: {  	s23 =	simm.s32 $0x7800  }
0x46: {  	[tilespmem:s23], [sflag:$0x1] =	stream.indirect_vreg.gather [hbm4b:s3+s16], $0x80, v3, vm0, $0xb8;
	[tilespmem:$0x1E000] =	vst v63  }
0x47: {  	v3 =	vld [tilespmem:$0x4020];
	_ =	sdelay $0x4  }
0x48: {  	v58 =	vshll.u32 v3, $0x1  }
0x49: {  	v3 =	vand.u32 $0x7, v3;
	v4 =	vand.u32 $0xFFFFFFF0, v58  }
0x4a: {  	v3 =	vor.u32 v3, v4  }
0x4b: {  	v4 =	vperm.xlane v3, v0;
	_ =	sdelay $0x1  }
0x4c: {  	v3 =	vperm.xlane v3, v2;
	v4 =	vadd.s32 v1, v4;
	_ =	sdelay $0x1  }
0x4d: {  	v3 =	vadd.s32 v1, v3;
	_ =	sdelay $0x1  }
0x4e: {  	s18 =	simm.s32 $0x8000  }
0x4f: {  	[tilespmem:s18], [sflag:$0x1] =	stream.indirect_vreg.gather [hbm4b:s3+s16], $0x80, v4, vm0, $0xb8;
	[tilespmem:$0x1E000] =	vst v63  }
0x50: {  	s19 =	simm.s32 $0x8800  }
0x51: {  	[tilespmem:s19], [sflag:$0x1] =	stream.indirect_vreg.gather [hbm4b:s3+s16], $0x80, v3, vm0, $0xb8;
	[tilespmem:$0x1E000] =	vst v63  }
0x52: {  	v3 =	vld [tilespmem:$0x4030];
	_ =	sdelay $0x4  }
0x53: {  	v59 =	vshll.u32 v3, $0x1  }
0x54: {  	v3 =	vand.u32 $0x7, v3;
	v4 =	vand.u32 $0xFFFFFFF0, v59  }
0x55: {  	v3 =	vor.u32 v3, v4  }
0x56: {  	v4 =	vperm.xlane v3, v0;
	_ =	sdelay $0x1  }
0x57: {  	v3 =	vperm.xlane v3, v2;
	v4 =	vadd.s32 v1, v4;
	_ =	sdelay $0x1  }
0x58: {  	v3 =	vadd.s32 v1, v3;
	_ =	sdelay $0x1  }
0x59: {  	s20 =	simm.s32 $0x9000  }
0x5a: {  	[tilespmem:s20], [sflag:$0x1] =	stream.indirect_vreg.gather [hbm4b:s3+s16], $0x80, v4, vm0, $0xb8;
	[tilespmem:$0x1E000] =	vst v63  }
0x5b: {  	s21 =	simm.s32 $0x9800  }
0x5c: {  	[tilespmem:s21], [sflag:$0x1] =	stream.indirect_vreg.gather [hbm4b:s3+s16], $0x80, v3, vm0, $0xb8;
	[tilespmem:$0x1E000] =	vst v63  }
0x5d: {  	s22 =	simm.s32 $0x12000  }
0x5e: {  	[tilespmem:s22], [sflag:$0x4] =	stream.linear.gather [hbm4b:s8+s16], $0x4000, $0x38;
	[tilespmem:$0x1E000] =	vst v63  }
0x5f: {  	v3 =	vld [tilespmem:$0x4040];
	_ =	sdelay $0x4  }
0x60: {  	v60 =	vshll.u32 v3, $0x1  }
0x61: {  	v3 =	vand.u32 $0x7, v3;
	v4 =	vand.u32 $0xFFFFFFF0, v60  }
0x62: {  	v3 =	vor.u32 v3, v4  }
0x63: {  	v4 =	vperm.xlane v3, v0;
	_ =	sdelay $0x1  }
0x64: {  	v3 =	vperm.xlane v3, v2;
	v4 =	vadd.s32 v1, v4;
	_ =	sdelay $0x1  }
0x65: {  	v3 =	vadd.s32 v1, v3;
	_ =	sdelay $0x1  }
0x66: {  	s23 =	simm.s32 $0xA000  }
0x67: {  	[tilespmem:s23], [sflag:$0x2] =	stream.indirect_vreg.gather [hbm4b:s3+s16], $0x80, v4, vm0, $0xb8;
	[tilespmem:$0x1E000] =	vst v63  }
0x68: {  	_ = 	snop  }
0x69: {  	[tilespmem:s24], [sflag:$0x2] =	stream.indirect_vreg.gather [hbm4b:s3+s16], $0x80, v3, vm0, $0xb8;
	[tilespmem:$0x1E000] =	vst v63  }
0x6a: {  	v3 =	vld [tilespmem:$0x4050];
	_ =	sdelay $0x4  }
0x6b: {  	v61 =	vshll.u32 v3, $0x1  }
0x6c: {  	v3 =	vand.u32 $0x7, v3;
	v4 =	vand.u32 $0xFFFFFFF0, v61  }
0x6d: {  	v3 =	vor.u32 v3, v4  }
0x6e: {  	v4 =	vperm.xlane v3, v0;
	_ =	sdelay $0x1  }
0x6f: {  	v3 =	vperm.xlane v3, v2;
	v4 =	vadd.s32 v1, v4;
	_ =	sdelay $0x1  }
0x70: {  	v3 =	vadd.s32 v1, v3;
	_ =	sdelay $0x2  }
0x71: {  	[tilespmem:s25], [sflag:$0x2] =	stream.indirect_vreg.gather [hbm4b:s3+s16], $0x80, v4, vm0, $0xb8;
	[tilespmem:$0x1E000] =	vst v63  }
0x72: {  	_ = 	snop  }
0x73: {  	[tilespmem:s26], [sflag:$0x2] =	stream.indirect_vreg.gather [hbm4b:s3+s16], $0x80, v3, vm0, $0xb8;
	[tilespmem:$0x1E000] =	vst v63  }
0x74: {  	v3 =	vld [tilespmem:$0x4060];
	_ =	sdelay $0x4  }
0x75: {  	v62 =	vshll.u32 v3, $0x1  }
0x76: {  	v3 =	vand.u32 $0x7, v3;
	v4 =	vand.u32 $0xFFFFFFF0, v62  }
0x77: {  	v3 =	vor.u32 v3, v4  }
0x78: {  	v4 =	vperm.xlane v3, v0;
	_ =	sdelay $0x1  }
0x79: {  	v3 =	vperm.xlane v3, v2;
	v4 =	vadd.s32 v1, v4;
	_ =	sdelay $0x1  }
0x7a: {  	v3 =	vadd.s32 v1, v3;
	_ =	sdelay $0x2  }
0x7b: {  	[tilespmem:s28], [sflag:$0x2] =	stream.indirect_vreg.gather [hbm4b:s3+s16], $0x80, v4, vm0, $0xb8;
	[tilespmem:$0x1E000] =	vst v63  }
0x7c: {  	_ = 	snop  }
0x7d: {  	[tilespmem:s29], [sflag:$0x2] =	stream.indirect_vreg.gather [hbm4b:s3+s16], $0x80, v3, vm0, $0xb8;
	[tilespmem:$0x1E000] =	vst v63  }
0x7e: {  	v3 =	vld [tilespmem:$0x4070];
	_ =	sdelay $0x4  }
0x7f: {  	v63 =	vshll.u32 v3, $0x1  }
0x80: {  	v3 =	vand.u32 $0x7, v3;
	v4 =	vand.u32 $0xFFFFFFF0, v63  }
0x81: {  	v3 =	vor.u32 v3, v4  }
0x82: {  	v4 =	vperm.xlane v3, v0;
	_ =	sdelay $0x1  }
0x83: {  	v3 =	vperm.xlane v3, v2;
	v4 =	vadd.s32 v1, v4;
	_ =	sdelay $0x1  }
0x84: {  	v3 =	vadd.s32 v1, v3;
	_ =	sdelay $0x2  }
0x85: {  	[tilespmem:s30], [sflag:$0x2] =	stream.indirect_vreg.gather [hbm4b:s3+s16], $0x80, v4, vm0, $0xb8;
	[tilespmem:$0x1E000] =	vst v63  }
0x86: {  	_ = 	snop  }
0x87: {  	[tilespmem:s31], [sflag:$0x2] =	stream.indirect_vreg.gather [hbm4b:s3+s16], $0x80, v3, vm0, $0xb8;
	[tilespmem:$0x1E000] =	vst v63  }
0x88: {  	_ = 	snop  }
0x89: {  	[tilespmem:s0], [sflag:$0x5] =	stream.linear.gather [hbm4b:s9+s16], $0x4000, $0x38;
	[tilespmem:$0x1E000] =	vst v63  }
.LBB2_4:
0x8a: {  	p0 =	sgt.u32 s16, $0x7D  }
.Ltmp1:
0x8b: {  	_ = 	snop;
	(pc) =	sbr.rel @p0 .LBB2_6-.Ltmp1, $2  }
0x8c: {  	_ =	sdelay $0x2  }
0x8d: {  	s17 =	smul.u32 $0xAB, s16  }
0x8e: {  	_ = 	snop  }
0x8f: {  	s18 =	sadd.s32 $0x156, s17  }
0x90: {  	s18 =	sshrl.u32 s18, $0x9  }
0x91: {  	s18 =	sand.u32 $0x7F, s18  }
0x92: {  	s18 =	smul.u32 $0x3, s18  }
0x93: {  	s19 =	sadd.s32 $0x2, s16  }
0x94: {  	s18 =	ssub.s32 s19, s18  }
0x95: {  	p0 =	seq.s32 s16, $0x0;
	s18 =	sand.u32 $0xFF, s18  }
0x96: {  	s20 =	sadd.s32 @!p0 $0x7, s18  }
0x97: {  	_ =	swait.ge @!p0 [sflag:s20], $0x4000  }
0x98: {  	[sflag:s20] =	ssyncset.done @!p0 $0x0  }
0x99: {  	s19 =	sshll.u32 s19, $0x6;
	[sflag:s20] =	ssyncadd.s32 @!p0 $0xFFFFC000  }
0x9a: {  	v3 =	vld [tilespmem:s19+$0x4000];
	_ =	sdelay $0x4  }
0x9b: {  	v4 =	vshll.u32 v3, $0x1  }
0x9c: {  	v3 =	vand.u32 $0x7, v3;
	v4 =	vand.u32 $0xFFFFFFF0, v4  }
0x9d: {  	v3 =	vor.u32 v3, v4  }
0x9e: {  	v4 =	vperm.xlane v3, v0;
	_ =	sdelay $0x1  }
0x9f: {  	v3 =	vperm.xlane v3, v2;
	v4 =	vadd.s32 v1, v4;
	_ =	sdelay $0x1  }
0xa0: {  	v3 =	vadd.s32 v1, v3  }
0xa1: {  	s20 =	sshll.u32 s18, $0xE  }
0xa2: {  	s22 =	sadd.s32 $0x1, s18;
	s21 =	sadd.s32 $0x6000, s20  }
0xa3: {  	[tilespmem:s21], [sflag:s22] =	stream.indirect_vreg.gather [hbm4b:s3+s4], $0x80, v4, vm0, $0xb8;
	[tilespmem:$0x1E000] =	vst v63  }
0xa4: {  	s23 =	sadd.s32 $0x6800, s20  }
0xa5: {  	[tilespmem:s23], [sflag:s22] =	stream.indirect_vreg.gather [hbm4b:s3+s4], $0x80, v3, vm0, $0xb8;
	[tilespmem:$0x1E000] =	vst v63  }
0xa6: {  	v3 =	vld [tilespmem:s19+$0x4010];
	_ =	sdelay $0x4  }
0xa7: {  	v61 =	vshll.u32 v3, $0x1  }
0xa8: {  	v3 =	vand.u32 $0x7, v3;
	v4 =	vand.u32 $0xFFFFFFF0, v61  }
0xa9: {  	v3 =	vor.u32 v3, v4  }
0xaa: {  	v4 =	vperm.xlane v3, v0;
	_ =	sdelay $0x1  }
0xab: {  	v3 =	vperm.xlane v3, v2;
	v4 =	vadd.s32 v1, v4;
	_ =	sdelay $0x1  }
0xac: {  	v3 =	vadd.s32 v1, v3;
	_ =	sdelay $0x1  }
0xad: {  	s23 =	sadd.s32 $0x7000, s20  }
0xae: {  	[tilespmem:s23], [sflag:s22] =	stream.indirect_vreg.gather [hbm4b:s3+s4], $0x80, v4, vm0, $0xb8;
	[tilespmem:$0x1E000] =	vst v63  }
0xaf: {  	s23 =	sadd.s32 $0x7800, s20  }
0xb0: {  	[tilespmem:s23], [sflag:s22] =	stream.indirect_vreg.gather [hbm4b:s3+s4], $0x80, v3, vm0, $0xb8;
	[tilespmem:$0x1E000] =	vst v63  }
0xb1: {  	v3 =	vld [tilespmem:s19+$0x4020];
	_ =	sdelay $0x4  }
0xb2: {  	v62 =	vshll.u32 v3, $0x1  }
0xb3: {  	v3 =	vand.u32 $0x7, v3;
	v4 =	vand.u32 $0xFFFFFFF0, v62  }
0xb4: {  	v3 =	vor.u32 v3, v4  }
0xb5: {  	v4 =	vperm.xlane v3, v0;
	_ =	sdelay $0x1  }
0xb6: {  	v3 =	vperm.xlane v3, v2;
	v4 =	vadd.s32 v1, v4;
	_ =	sdelay $0x1  }
0xb7: {  	v3 =	vadd.s32 v1, v3;
	_ =	sdelay $0x1  }
0xb8: {  	s23 =	sadd.s32 $0x8000, s20  }
0xb9: {  	[tilespmem:s23], [sflag:s22] =	stream.indirect_vreg.gather [hbm4b:s3+s4], $0x80, v4, vm0, $0xb8;
	[tilespmem:$0x1E000] =	vst v63  }
0xba: {  	s23 =	sadd.s32 $0x8800, s20  }
0xbb: {  	[tilespmem:s23], [sflag:s22] =	stream.indirect_vreg.gather [hbm4b:s3+s4], $0x80, v3, vm0, $0xb8;
	[tilespmem:$0x1E000] =	vst v63  }
0xbc: {  	v3 =	vld [tilespmem:s19+$0x4030];
	_ =	sdelay $0x4  }
0xbd: {  	v63 =	vshll.u32 v3, $0x1  }
0xbe: {  	v3 =	vand.u32 $0x7, v3;
	v4 =	vand.u32 $0xFFFFFFF0, v63  }
0xbf: {  	v3 =	vor.u32 v3, v4  }
0xc0: {  	v4 =	vperm.xlane v3, v0;
	_ =	sdelay $0x1  }
0xc1: {  	v3 =	vperm.xlane v3, v2;
	v4 =	vadd.s32 v1, v4;
	_ =	sdelay $0x1  }
0xc2: {  	v3 =	vadd.s32 v1, v3;
	_ =	sdelay $0x1  }
0xc3: {  	s23 =	sadd.s32 $0x9000, s20;
	s19 =	sadd.s32 s5, s19  }
0xc4: {  	[tilespmem:s23], [sflag:s22] =	stream.indirect_vreg.gather [hbm4b:s3+s4], $0x80, v4, vm0, $0xb8;
	[tilespmem:$0x1E000] =	vst v63  }
0xc5: {  	s19 =	sshll.u32 s19, $0x5;
	s23 =	sadd.s32 $0x9800, s20  }
0xc6: {  	[tilespmem:s23], [sflag:s22] =	stream.indirect_vreg.gather [hbm4b:s3+s4], $0x80, v3, vm0, $0xb8;
	[tilespmem:$0x1E000] =	vst v63  }
0xc7: {  	s18 =	sadd.s32 $0x4, s18;
	s19 =	sadd.s32 s1, s19;
	s20 =	sadd.s32 $0x12000, s20  }
0xc8: {  	[tilespmem:s20], [sflag:s18] =	stream.linear.gather [hbm4b:s19+s4], $0x4000, $0x38;
	[tilespmem:$0x1E000] =	vst v63  }
.LBB2_6:
0xc9: {  	_ = 	snop  }
0xca: {  	s17 =	sshrl.u32 s17, $0x9  }
0xcb: {  	s17 =	sand.u32 $0x7F, s17  }
0xcc: {  	s17 =	smul.u32 $0x3, s17;
	_ =	sdelay $0x1  }
0xcd: {  	s17 =	ssub.s32 s16, s17  }
0xce: {  	s17 =	sand.u32 $0xFF, s17  }
0xcf: {  	s18 =	sadd.s32 $0x1, s17  }
0xd0: {  	_ =	swait.ge [sflag:s18], $0x4000  }
0xd1: {  	[sflag:s18] =	ssyncset.done $0x0  }
0xd2: {  	s22 =	simm.s32 $0x0;
	s19 =	sadd.s32 $0x4, s17;
	[sflag:s18] =	ssyncadd.s32 $0xFFFFC000  }
0xd3: {  	s20 =	sand.u32 $0x3800, s22;
	s21 =	sand.u32 $0x300, s22;
	_ =	swait.ge [sflag:s19], $0x4000  }
0xd4: {  	s20 =	sor.u32 s21, s20;
	s18 =	sshll.u32 s17, $0xE;
	[sflag:s19] =	ssyncset.done $0x0  }
0xd5: {  	[sflag:s19] =	ssyncadd.s32 $0xFFFFC000;
	s19 =	sor.u32 s18, s20  }
0xd6: {  	v3 =	vld [tilespmem:s19+$0x64F0]  }
0xd7: {  	v5 =	vld [tilespmem:s19+$0x6000]  }
0xd8: {  	v6 =	vld [tilespmem:s19+$0x6010]  }
0xd9: {  	v7 =	vld [tilespmem:s19+$0x6020]  }
0xda: {  	v8 =	vld [tilespmem:s19+$0x6030]  }
0xdb: {  	v9 =	vld [tilespmem:s19+$0x6040]  }
0xdc: {  	v10 =	vld [tilespmem:s19+$0x6050]  }
0xdd: {  	v11 =	vld [tilespmem:s19+$0x6060]  }
0xde: {  	v12 =	vld [tilespmem:s19+$0x6070]  }
0xdf: {  	v13 =	vld [tilespmem:s19+$0x6400]  }
0xe0: {  	v14 =	vld [tilespmem:s19+$0x6410]  }
0xe1: {  	v15 =	vld [tilespmem:s19+$0x6420]  }
0xe2: {  	v16 =	vld [tilespmem:s19+$0x6430]  }
0xe3: {  	v17 =	vld [tilespmem:s19+$0x6440]  }
0xe4: {  	v18 =	vld [tilespmem:s19+$0x6450]  }
0xe5: {  	v19 =	vld [tilespmem:s19+$0x6460]  }
0xe6: {  	v20 =	vld [tilespmem:s19+$0x6470]  }
0xe7: {  	v21 =	vld [tilespmem:s19+$0x6080]  }
0xe8: {  	v22 =	vld [tilespmem:s19+$0x6090]  }
0xe9: {  	v23 =	vld [tilespmem:s19+$0x60A0]  }
0xea: {  	v24 =	vld [tilespmem:s19+$0x60B0]  }
0xeb: {  	v25 =	vld [tilespmem:s19+$0x60C0]  }
0xec: {  	v26 =	vld [tilespmem:s19+$0x60D0]  }
0xed: {  	v27 =	vld [tilespmem:s19+$0x60E0]  }
0xee: {  	v28 =	vld [tilespmem:s19+$0x60F0]  }
0xef: {  	v29 =	vld [tilespmem:s19+$0x6480]  }
0xf0: {  	v30 =	vld [tilespmem:s19+$0x6490]  }
0xf1: {  	v31 =	vld [tilespmem:s19+$0x64A0]  }
0xf2: {  	v32 =	vld [tilespmem:s19+$0x64B0]  }
0xf3: {  	v33 =	vld [tilespmem:s19+$0x64C0]  }
0xf4: {  	v4 =	vld [tilespmem:s19+$0x64D0]  }
0xf5: {  	[tilespmem:s19+$0x124F0] =	vst.add.f32.msk $0xffff, v3  }
0xf6: {  	v3 =	vld [tilespmem:s19+$0x64E0]  }
0xf7: {  	[tilespmem:s19+$0x12000] =	vst.add.f32.msk $0xffff, v5  }
0xf8: {  	[tilespmem:s19+$0x12010] =	vst.add.f32.msk $0xffff, v6  }
0xf9: {  	[tilespmem:s19+$0x12020] =	vst.add.f32.msk $0xffff, v7  }
0xfa: {  	[tilespmem:s19+$0x12030] =	vst.add.f32.msk $0xffff, v8  }
0xfb: {  	[tilespmem:s19+$0x12040] =	vst.add.f32.msk $0xffff, v9  }
0xfc: {  	[tilespmem:s19+$0x12050] =	vst.add.f32.msk $0xffff, v10  }
0xfd: {  	[tilespmem:s19+$0x12060] =	vst.add.f32.msk $0xffff, v11  }
0xfe: {  	[tilespmem:s19+$0x12070] =	vst.add.f32.msk $0xffff, v12  }
0xff: {  	[tilespmem:s19+$0x12400] =	vst.add.f32.msk $0xffff, v13  }
0x100: {  	[tilespmem:s19+$0x12410] =	vst.add.f32.msk $0xffff, v14  }
0x101: {  	[tilespmem:s19+$0x12420] =	vst.add.f32.msk $0xffff, v15  }
0x102: {  	[tilespmem:s19+$0x12430] =	vst.add.f32.msk $0xffff, v16  }
0x103: {  	[tilespmem:s19+$0x12440] =	vst.add.f32.msk $0xffff, v17  }
0x104: {  	[tilespmem:s19+$0x12450] =	vst.add.f32.msk $0xffff, v18  }
0x105: {  	[tilespmem:s19+$0x12460] =	vst.add.f32.msk $0xffff, v19  }
0x106: {  	[tilespmem:s19+$0x12470] =	vst.add.f32.msk $0xffff, v20  }
0x107: {  	[tilespmem:s19+$0x12080] =	vst.add.f32.msk $0xffff, v21  }
0x108: {  	[tilespmem:s19+$0x12090] =	vst.add.f32.msk $0xffff, v22  }
0x109: {  	[tilespmem:s19+$0x120A0] =	vst.add.f32.msk $0xffff, v23  }
0x10a: {  	[tilespmem:s19+$0x120B0] =	vst.add.f32.msk $0xffff, v24  }
0x10b: {  	[tilespmem:s19+$0x120C0] =	vst.add.f32.msk $0xffff, v25  }
0x10c: {  	[tilespmem:s19+$0x120D0] =	vst.add.f32.msk $0xffff, v26  }
0x10d: {  	[tilespmem:s19+$0x120E0] =	vst.add.f32.msk $0xffff, v27  }
0x10e: {  	[tilespmem:s19+$0x120F0] =	vst.add.f32.msk $0xffff, v28  }
0x10f: {  	[tilespmem:s19+$0x12480] =	vst.add.f32.msk $0xffff, v29  }
0x110: {  	[tilespmem:s19+$0x12490] =	vst.add.f32.msk $0xffff, v30  }
0x111: {  	[tilespmem:s19+$0x124A0] =	vst.add.f32.msk $0xffff, v31  }
0x112: {  	s23 =	simm.s32 $0x100;
	s20 =	simm.s32 $0x200;
	[tilespmem:s19+$0x124B0] =	vst.add.f32.msk $0xffff, v32  }
0x113: {  	s23 =	sand.u32 $0x300, s23;
	s21 =	simm.s32 $0x200;
	s22 =	sand.u32 $0x3800, s20;
	[tilespmem:s19+$0x124C0] =	vst.add.f32.msk $0xffff, v33  }
.LBB2_7:
0x114: {  	p0 =	sne.s32 s21, $0x1F00;
	s22 =	sor.u32 s23, s22;
	[tilespmem:s19+$0x124D0] =	vst.add.f32.msk $0xffff, v4  }
0x115: {  	[tilespmem:s19+$0x124E0] =	vst.add.f32.msk $0xffff, v3;
	s19 =	sor.u32 s18, s22  }
0x116: {  	v3 =	vld [tilespmem:s19+$0x64F0]  }
0x117: {  	v5 =	vld [tilespmem:s19+$0x6000]  }
0x118: {  	v6 =	vld [tilespmem:s19+$0x6010]  }
0x119: {  	v7 =	vld [tilespmem:s19+$0x6020]  }
0x11a: {  	v8 =	vld [tilespmem:s19+$0x6030]  }
0x11b: {  	[tilespmem:s19+$0x124F0] =	vst.add.f32.msk $0xffff, v3  }
0x11c: {  	v9 =	vld [tilespmem:s19+$0x6040]  }
0x11d: {  	v10 =	vld [tilespmem:s19+$0x6050]  }
0x11e: {  	v11 =	vld [tilespmem:s19+$0x6060]  }
0x11f: {  	v12 =	vld [tilespmem:s19+$0x6070]  }
0x120: {  	v13 =	vld [tilespmem:s19+$0x6400]  }
0x121: {  	v14 =	vld [tilespmem:s19+$0x6410]  }
0x122: {  	v15 =	vld [tilespmem:s19+$0x6420]  }
0x123: {  	v16 =	vld [tilespmem:s19+$0x6430]  }
0x124: {  	v17 =	vld [tilespmem:s19+$0x6440]  }
0x125: {  	v18 =	vld [tilespmem:s19+$0x6450]  }
0x126: {  	v19 =	vld [tilespmem:s19+$0x6460]  }
0x127: {  	v20 =	vld [tilespmem:s19+$0x6470]  }
0x128: {  	v21 =	vld [tilespmem:s19+$0x6080]  }
0x129: {  	v22 =	vld [tilespmem:s19+$0x6090]  }
0x12a: {  	v23 =	vld [tilespmem:s19+$0x60A0]  }
0x12b: {  	v24 =	vld [tilespmem:s19+$0x60B0]  }
0x12c: {  	v25 =	vld [tilespmem:s19+$0x60C0]  }
0x12d: {  	v26 =	vld [tilespmem:s19+$0x60D0]  }
0x12e: {  	v27 =	vld [tilespmem:s19+$0x60E0]  }
0x12f: {  	v28 =	vld [tilespmem:s19+$0x60F0]  }
0x130: {  	v29 =	vld [tilespmem:s19+$0x6480]  }
0x131: {  	v30 =	vld [tilespmem:s19+$0x6490]  }
0x132: {  	v31 =	vld [tilespmem:s19+$0x64A0]  }
0x133: {  	v32 =	vld [tilespmem:s19+$0x64B0]  }
0x134: {  	v33 =	vld [tilespmem:s19+$0x64C0]  }
0x135: {  	v4 =	vld [tilespmem:s19+$0x64D0]  }
0x136: {  	v3 =	vld [tilespmem:s19+$0x64E0]  }
0x137: {  	[tilespmem:s19+$0x12000] =	vst.add.f32.msk $0xffff, v5  }
0x138: {  	[tilespmem:s19+$0x12010] =	vst.add.f32.msk $0xffff, v6  }
0x139: {  	[tilespmem:s19+$0x12020] =	vst.add.f32.msk $0xffff, v7  }
0x13a: {  	[tilespmem:s19+$0x12030] =	vst.add.f32.msk $0xffff, v8  }
0x13b: {  	[tilespmem:s19+$0x12040] =	vst.add.f32.msk $0xffff, v9  }
0x13c: {  	[tilespmem:s19+$0x12050] =	vst.add.f32.msk $0xffff, v10  }
0x13d: {  	[tilespmem:s19+$0x12060] =	vst.add.f32.msk $0xffff, v11  }
0x13e: {  	[tilespmem:s19+$0x12070] =	vst.add.f32.msk $0xffff, v12  }
0x13f: {  	[tilespmem:s19+$0x12400] =	vst.add.f32.msk $0xffff, v13  }
0x140: {  	[tilespmem:s19+$0x12410] =	vst.add.f32.msk $0xffff, v14  }
0x141: {  	[tilespmem:s19+$0x12420] =	vst.add.f32.msk $0xffff, v15  }
0x142: {  	[tilespmem:s19+$0x12430] =	vst.add.f32.msk $0xffff, v16  }
0x143: {  	[tilespmem:s19+$0x12440] =	vst.add.f32.msk $0xffff, v17  }
0x144: {  	[tilespmem:s19+$0x12450] =	vst.add.f32.msk $0xffff, v18  }
0x145: {  	[tilespmem:s19+$0x12460] =	vst.add.f32.msk $0xffff, v19  }
0x146: {  	[tilespmem:s19+$0x12470] =	vst.add.f32.msk $0xffff, v20  }
0x147: {  	[tilespmem:s19+$0x12080] =	vst.add.f32.msk $0xffff, v21  }
0x148: {  	[tilespmem:s19+$0x12090] =	vst.add.f32.msk $0xffff, v22  }
0x149: {  	[tilespmem:s19+$0x120A0] =	vst.add.f32.msk $0xffff, v23  }
0x14a: {  	[tilespmem:s19+$0x120B0] =	vst.add.f32.msk $0xffff, v24  }
0x14b: {  	[tilespmem:s19+$0x120C0] =	vst.add.f32.msk $0xffff, v25  }
0x14c: {  	[tilespmem:s19+$0x120D0] =	vst.add.f32.msk $0xffff, v26  }
0x14d: {  	[tilespmem:s19+$0x120E0] =	vst.add.f32.msk $0xffff, v27  }
0x14e: {  	[tilespmem:s19+$0x120F0] =	vst.add.f32.msk $0xffff, v28  }
.Ltmp2:
0x14f: {  	[tilespmem:s19+$0x12480] =	vst.add.f32.msk $0xffff, v29;
	(pc) =	sbr.rel @p0 .LBB2_7-.Ltmp2, $4  }
0x150: {  	[tilespmem:s19+$0x12490] =	vst.add.f32.msk $0xffff, v30  }
0x151: {  	[tilespmem:s19+$0x124A0] =	vst.add.f32.msk $0xffff, v31  }
0x152: {  	s20 =	sadd.s32 $0x200, s20;
	[tilespmem:s19+$0x124B0] =	vst.add.f32.msk $0xffff, v32  }
0x153: {  	s23 =	sand.u32 $0x300, s21;
	s21 =	sadd.s32 $0x100, s21;
	s22 =	sand.u32 $0x3800, s20;
	[tilespmem:s19+$0x124C0] =	vst.add.f32.msk $0xffff, v33  }
0x154: {  	s20 =	sor.u32 s23, s22;
	[tilespmem:s19+$0x124D0] =	vst.add.f32.msk $0xffff, v4  }
0x155: {  	[tilespmem:s19+$0x124E0] =	vst.add.f32.msk $0xffff, v3;
	s20 =	sor.u32 s18, s20  }
0x156: {  	v3 =	vld [tilespmem:s20+$0x64F0]  }
0x157: {  	v4 =	vld [tilespmem:s20+$0x6000]  }
0x158: {  	v5 =	vld [tilespmem:s20+$0x6010]  }
0x159: {  	v6 =	vld [tilespmem:s20+$0x6020]  }
0x15a: {  	v7 =	vld [tilespmem:s20+$0x6030]  }
0x15b: {  	v8 =	vld [tilespmem:s20+$0x6050]  }
0x15c: {  	v9 =	vld [tilespmem:s20+$0x6060]  }
0x15d: {  	v10 =	vld [tilespmem:s20+$0x6070]  }
0x15e: {  	v11 =	vld [tilespmem:s20+$0x6400]  }
0x15f: {  	v12 =	vld [tilespmem:s20+$0x6410]  }
0x160: {  	v13 =	vld [tilespmem:s20+$0x6420]  }
0x161: {  	v14 =	vld [tilespmem:s20+$0x6430]  }
0x162: {  	v15 =	vld [tilespmem:s20+$0x6440]  }
0x163: {  	v16 =	vld [tilespmem:s20+$0x6450]  }
0x164: {  	v17 =	vld [tilespmem:s20+$0x6460]  }
0x165: {  	v18 =	vld [tilespmem:s20+$0x6470]  }
0x166: {  	v19 =	vld [tilespmem:s20+$0x6080]  }
0x167: {  	v20 =	vld [tilespmem:s20+$0x6090]  }
0x168: {  	v21 =	vld [tilespmem:s20+$0x60A0]  }
0x169: {  	v22 =	vld [tilespmem:s20+$0x60B0]  }
0x16a: {  	v23 =	vld [tilespmem:s20+$0x60C0]  }
0x16b: {  	v24 =	vld [tilespmem:s20+$0x60D0]  }
0x16c: {  	v25 =	vld [tilespmem:s20+$0x60E0]  }
0x16d: {  	v26 =	vld [tilespmem:s20+$0x60F0]  }
0x16e: {  	v27 =	vld [tilespmem:s20+$0x6480]  }
0x16f: {  	v28 =	vld [tilespmem:s20+$0x6490]  }
0x170: {  	v29 =	vld [tilespmem:s20+$0x64A0]  }
0x171: {  	v30 =	vld [tilespmem:s20+$0x64B0]  }
0x172: {  	v31 =	vld [tilespmem:s20+$0x64C0]  }
0x173: {  	v32 =	vld [tilespmem:s20+$0x64D0]  }
0x174: {  	v33 =	vld [tilespmem:s20+$0x64E0]  }
0x175: {  	[tilespmem:s20+$0x124F0] =	vst.add.f32.msk $0xffff, v3  }
0x176: {  	v3 =	vld [tilespmem:s20+$0x6040]  }
0x177: {  	[tilespmem:s20+$0x12000] =	vst.add.f32.msk $0xffff, v4  }
0x178: {  	[tilespmem:s20+$0x12010] =	vst.add.f32.msk $0xffff, v5  }
0x179: {  	[tilespmem:s20+$0x12020] =	vst.add.f32.msk $0xffff, v6  }
0x17a: {  	[tilespmem:s20+$0x12030] =	vst.add.f32.msk $0xffff, v7  }
0x17b: {  	[tilespmem:s20+$0x12050] =	vst.add.f32.msk $0xffff, v8  }
0x17c: {  	[tilespmem:s20+$0x12060] =	vst.add.f32.msk $0xffff, v9  }
0x17d: {  	[tilespmem:s20+$0x12070] =	vst.add.f32.msk $0xffff, v10  }
0x17e: {  	[tilespmem:s20+$0x12400] =	vst.add.f32.msk $0xffff, v11  }
0x17f: {  	[tilespmem:s20+$0x12410] =	vst.add.f32.msk $0xffff, v12  }
0x180: {  	[tilespmem:s20+$0x12420] =	vst.add.f32.msk $0xffff, v13  }
0x181: {  	[tilespmem:s20+$0x12430] =	vst.add.f32.msk $0xffff, v14  }
0x182: {  	[tilespmem:s20+$0x12440] =	vst.add.f32.msk $0xffff, v15  }
0x183: {  	[tilespmem:s20+$0x12450] =	vst.add.f32.msk $0xffff, v16  }
0x184: {  	[tilespmem:s20+$0x12460] =	vst.add.f32.msk $0xffff, v17  }
0x185: {  	[tilespmem:s20+$0x12470] =	vst.add.f32.msk $0xffff, v18  }
0x186: {  	[tilespmem:s20+$0x12080] =	vst.add.f32.msk $0xffff, v19  }
0x187: {  	[tilespmem:s20+$0x12090] =	vst.add.f32.msk $0xffff, v20  }
0x188: {  	[tilespmem:s20+$0x120A0] =	vst.add.f32.msk $0xffff, v21  }
0x189: {  	[tilespmem:s20+$0x120B0] =	vst.add.f32.msk $0xffff, v22  }
0x18a: {  	[tilespmem:s20+$0x120C0] =	vst.add.f32.msk $0xffff, v23  }
0x18b: {  	[tilespmem:s20+$0x120D0] =	vst.add.f32.msk $0xffff, v24  }
0x18c: {  	[tilespmem:s20+$0x120E0] =	vst.add.f32.msk $0xffff, v25  }
0x18d: {  	[tilespmem:s20+$0x120F0] =	vst.add.f32.msk $0xffff, v26  }
0x18e: {  	[tilespmem:s20+$0x12480] =	vst.add.f32.msk $0xffff, v27  }
0x18f: {  	[tilespmem:s20+$0x12490] =	vst.add.f32.msk $0xffff, v28  }
0x190: {  	s22 =	sshll.u32 s16, $0xB;
	s16 =	sadd.s32 $0x1, s16;
	[tilespmem:s20+$0x124A0] =	vst.add.f32.msk $0xffff, v29  }
0x191: {  	p0 =	sne.s32 s16, $0x80;
	[tilespmem:s20+$0x124B0] =	vst.add.f32.msk $0xffff, v30  }
.Ltmp3:
0x192: {  	[tilespmem:s20+$0x124C0] =	vst.add.f32.msk $0xffff, v31;
	(pc) =	sbr.rel @p0 .LBB2_4-.Ltmp3, $4  }
0x193: {  	[tilespmem:s20+$0x124D0] =	vst.add.f32.msk $0xffff, v32  }
0x194: {  	[tilespmem:s20+$0x124E0] =	vst.add.f32.msk $0xffff, v33  }
0x195: {  	s23 =	sadd.s32 $0x12000, s18;
	s17 =	sadd.s32 $0x7, s17;
	s19 =	sadd.s32 s22, s10;
	[tilespmem:s20+$0x12040] =	vst.add.f32.msk $0xffff, v3  }
0x196: {  	[hbm4b:s19+s4] =	stream.linear.scatter [tilespmem:s23], [sflag:s17], $0x4000, $0x38;
	[tilespmem:$0x1E000] =	vst v63  }
0x197: {  	_ =	swait.ge [sflag:s2], $0x4000  }
0x198: {  	[sflag:s2] =	ssyncset.done $0x0  }
0x199: {  	s15 =	sadd.s32 $0x1, s15;
	[sflag:s2] =	ssyncadd.s32 $0xFFFFC000  }
0x19a: {  	p0 =	sne.s32 s15, s11;
	_ =	swait.ge [sflag:s13], $0x4000  }
.Ltmp4:
0x19b: {  	[sflag:s13] =	ssyncset.done $0x0;
	(pc) =	sbr.rel @p0 .LBB2_1-.Ltmp4, $4  }
0x19c: {  	[sflag:s13] =	ssyncadd.s32 $0xFFFFC000  }
0x19d: {  	_ =	swait.ge [sflag:s14], $0x4000  }
0x19e: {  	[sflag:s14] =	ssyncset.done $0x0  }
0x19f: {  	[sflag:s14] =	ssyncadd.s32 $0xFFFFC000  }
0x1a0: {  	_ =	sfence.sel $0x180000  }
0x1a1: {  	[bflag:$0x0] =	sbarrier.arrive $0xFFFF  }
0x1a2: {  	_ =	strace $0x90000047  }
0x1a3: {  	s0 =	stileid.u32;
	[bflag:$0x2] =	sbarrier.arrive $0xFFFF  }
0x1a4: {  	p0 =	sne.s32 s0, $0x0;
	s0 =	rddreg [dreg:$0x4]  }
0x1a5: {  	s0 =	sadd.s32 @!p0 $0x100000, s0  }
0x1a6: {  	[sflag:s0] =	ssyncadd.tile.s32 @!p0 $0x1;
	_ =	shalt  }
.Lfunc_end2:
_tile_overlayer_lowered:
.L_overlay_start_2:
0x1a7: {  	(tag) =	ssettag $0x2  }
0x1a8: {  	s0 =	rddreg [dreg:$0x0];
	s2 =	stileid.u32  }
0x1a9: {  	s1 =	rddreg [dreg:$0x1];
	p0 =	sne.s32 s2, $0x0  }
0x1aa: {  	s3 =	rddreg [dreg:$0x2];
	[bflag:$0x3] =	sbarrier.arrive $0xFFFF;
	s2 =	simm.s32 @!p0 $0x1C0A  }
0x1ab: {  	[timem:s3], [sflag:s2] =	dma.local @!p0 [hbm:s0], s1  }
0x1ac: {  	s0 =	simm.s32 @!p0 $0xA  }
0x1ad: {  	_ =	swait.ge @!p0 [sflag:s0], s1  }
0x1ae: {  	s1 =	ssub.s32 @!p0 $0x0, s1;
	[sflag:s0] =	ssyncset.done @!p0 $0x0  }
0x1af: {  	[sflag:s0] =	ssyncadd.s32 @!p0 s1  }
0x1b0: {  	[bflag:$0x3] =	sbarrier.arrive $0xFFFF  }
0x1b1: {  	_ =	shalt  }

</sc_bundles>
